<compile_context>
chip_gen: v7x
topology: tpu7x:2x2x1
jax: 0.10.2.dev20260603
libtpu: 0.0.44.dev20260713+nightly
codegen_flags: <defaults>
</compile_context>

<pallas_src>
import functools

import jax
import jax.numpy as jnp
from jax import lax
from jax.experimental import pallas as pl
from jax.experimental.pallas import tpu as pltpu
import jax.experimental.pallas.tpu_sc as plsc

N = 10000
E = 160000
IN_DIM = 256
HID_DIM = 256
LAT_DIM = 128
OUT_DIM = 256

NC = 2
NT = 16
ROWS_PT = N // NT
EPT = E // NT
CH = 125
NCHUNK = EPT // CH
INIT_CHUNKS = ROWS_PT // CH
DEG_EPT = E // (NT * NC)
DEG_CH = 100
DEG_NCHUNK = DEG_EPT // DEG_CH

_MESH = plsc.VectorSubcoreMesh(core_axis_name="c", subcore_axis_name="s")
_SC_PARAMS = pltpu.CompilerParams(use_tc_tiling_on_sc=False,
                                  needs_layout_passes=False)


def _build_deg(interpret=False):
    return functools.partial(
        pl.kernel,
        out_type=jax.ShapeDtypeStruct((NC * N, 16), jnp.float32),
        mesh=_MESH,
        scratch_types=[
            pltpu.VMEM((DEG_NCHUNK, DEG_CH), jnp.int32),
            pltpu.VMEM((DEG_CH, 16), jnp.float32),
            pltpu.VMEM((ROWS_PT, 16), jnp.float32),
            pltpu.VMEM_SHARED((N, 16), jnp.float32),
            pltpu.SemaphoreType.DMA,
        ],
        compiler_params=_SC_PARAMS,
        interpret=interpret,
    )(_deg_body)


def _deg_body(dst_hbm, ones_hbm, out_hbm, dstbuf, ones_v, stage, acc, sem):
    c = lax.axis_index("c")
    s = lax.axis_index("s")
    w = c * NT + s
    pltpu.sync_copy(dst_hbm.at[w], dstbuf)
    pltpu.sync_copy(ones_hbm.at[pl.ds(0, DEG_CH)], ones_v)
    pltpu.sync_copy(ones_hbm, stage)
    pltpu.sync_copy(stage, acc.at[pl.ds(s * ROWS_PT, ROWS_PT)])
    plsc.subcore_barrier()

    def chunk(j, carry):
        pltpu.sync_copy(ones_v, acc.at[dstbuf.at[j]], add=True)
        return carry

    lax.fori_loop(0, DEG_NCHUNK, chunk, 0)
    plsc.subcore_barrier()
    pltpu.sync_copy(acc.at[pl.ds(s * ROWS_PT, ROWS_PT)], stage)
    pltpu.sync_copy(stage, out_hbm.at[pl.ds(c * N + s * ROWS_PT, ROWS_PT)])


_deg_kernel = _build_deg()


def _make_prop(dh, interpret=False):
    @functools.partial(
        pl.kernel,
        out_type=jax.ShapeDtypeStruct((NC * N, dh), jnp.float32),
        mesh=_MESH,
        scratch_types=[
            pltpu.VMEM((NCHUNK, CH), jnp.int32),
            pltpu.VMEM((NCHUNK, CH), jnp.int32),
            pltpu.VMEM((CH, dh), jnp.float32),
            pltpu.VMEM_SHARED((N, dh), jnp.float32),
            pltpu.SemaphoreType.DMA,
        ],
        compiler_params=_SC_PARAMS,
        interpret=interpret,
    )
    def prop(y_hbm, srcb_hbm, dstb_hbm, out_hbm, srcb, dstb, rows, acc, sem):
        c = lax.axis_index("c")
        s = lax.axis_index("s")
        pltpu.sync_copy(srcb_hbm.at[c, s], srcb)
        pltpu.sync_copy(dstb_hbm.at[s], dstb)

        def init(k, carry):
            pltpu.sync_copy(y_hbm.at[pl.ds(c * N + s * ROWS_PT + k * CH, CH)],
                            rows)
            pltpu.sync_copy(rows, acc.at[pl.ds(s * ROWS_PT + k * CH, CH)])
            return carry

        lax.fori_loop(0, INIT_CHUNKS, init, 0)
        plsc.subcore_barrier()

        def chunk(j, carry):
            pltpu.async_copy(y_hbm.at[srcb.at[j]], rows, sem).wait()
            pltpu.sync_copy(rows, acc.at[dstb.at[j]], add=True)
            return carry

        lax.fori_loop(0, NCHUNK, chunk, 0)
        plsc.subcore_barrier()

        def drain(k, carry):
            pltpu.sync_copy(acc.at[pl.ds(s * ROWS_PT + k * CH, CH)], rows)
            pltpu.sync_copy(rows,
                            out_hbm.at[pl.ds(c * N + s * ROWS_PT + k * CH, CH)])
            return carry

        lax.fori_loop(0, INIT_CHUNKS, drain, 0)

    return prop


_prop128 = _make_prop(128)
_prop64 = _make_prop(64)


_R = 1000
_GRID = N // _R


def _tc1_body(x_ref, w_ref, b_ref, d_ref, y_ref, dis_ref):
    dis = lax.rsqrt(d_ref[0][:, :1] + d_ref[1][:, :1] - 1.0)
    h = jnp.dot(x_ref[...], w_ref[...], preferred_element_type=jnp.float32)
    h = (h + b_ref[...]) * dis
    y_ref[0] = h[:, :128]
    y_ref[1] = h[:, 128:]
    dis_ref[...] = dis


def _tc1(x, w1, b1, deg):
    return pl.pallas_call(
        _tc1_body,
        grid=(_GRID,),
        in_specs=[
            pl.BlockSpec((_R, IN_DIM), lambda i: (i, 0)),
            pl.BlockSpec((IN_DIM, HID_DIM), lambda i: (0, 0)),
            pl.BlockSpec((1, HID_DIM), lambda i: (0, 0)),
            pl.BlockSpec((NC, _R, 16), lambda i: (0, i, 0)),
        ],
        out_specs=[
            pl.BlockSpec((NC, _R, 128), lambda i: (0, i, 0)),
            pl.BlockSpec((_R, 1), lambda i: (i, 0)),
        ],
        out_shape=[
            jax.ShapeDtypeStruct((NC, N, 128), jnp.float32),
            jax.ShapeDtypeStruct((N, 1), jnp.float32),
        ],
    )(x, w1, b1, deg)


def _tc2_body(a_ref, w_ref, b_ref, dis_ref, y_ref):
    dis = dis_ref[...]
    h0 = jnp.maximum(a_ref[0] * dis, 0.0)
    h1 = jnp.maximum(a_ref[1] * dis, 0.0)
    y = jnp.dot(h0, w_ref[:128], preferred_element_type=jnp.float32)
    y = y + jnp.dot(h1, w_ref[128:], preferred_element_type=jnp.float32)
    y = (y + b_ref[...]) * dis
    y_ref[0] = y[:, :64]
    y_ref[1] = y[:, 64:]


def _tc2(acc1, w2, b2, dis):
    return pl.pallas_call(
        _tc2_body,
        grid=(_GRID,),
        in_specs=[
            pl.BlockSpec((NC, _R, 128), lambda i: (0, i, 0)),
            pl.BlockSpec((HID_DIM, LAT_DIM), lambda i: (0, 0)),
            pl.BlockSpec((1, LAT_DIM), lambda i: (0, 0)),
            pl.BlockSpec((_R, 1), lambda i: (i, 0)),
        ],
        out_specs=pl.BlockSpec((NC, _R, 64), lambda i: (0, i, 0)),
        out_shape=jax.ShapeDtypeStruct((NC, N, 64), jnp.float32),
    )(acc1, w2, b2, dis)


def _tc3_body(a_ref, w_ref, b_ref, dis_ref, y_ref):
    dis = dis_ref[...]
    z0 = a_ref[0] * dis
    z1 = a_ref[1] * dis
    y = jnp.dot(z0, w_ref[:64], preferred_element_type=jnp.float32)
    y = y + jnp.dot(z1, w_ref[64:], preferred_element_type=jnp.float32)
    y = (y + b_ref[...]) * dis
    y_ref[0] = y[:, :128]
    y_ref[1] = y[:, 128:]


def _tc3(acc2, w3, b3, dis):
    return pl.pallas_call(
        _tc3_body,
        grid=(_GRID,),
        in_specs=[
            pl.BlockSpec((NC, _R, 64), lambda i: (0, i, 0)),
            pl.BlockSpec((LAT_DIM, OUT_DIM), lambda i: (0, 0)),
            pl.BlockSpec((1, OUT_DIM), lambda i: (0, 0)),
            pl.BlockSpec((_R, 1), lambda i: (i, 0)),
        ],
        out_specs=pl.BlockSpec((NC, _R, 128), lambda i: (0, i, 0)),
        out_shape=jax.ShapeDtypeStruct((NC, N, 128), jnp.float32),
    )(acc2, w3, b3, dis)


def _tc4_body(a_ref, dis_ref, o_ref):
    dis = dis_ref[...]
    o_ref[:, :128] = a_ref[0] * dis
    o_ref[:, 128:] = a_ref[1] * dis


def _tc4(acc3, dis):
    return pl.pallas_call(
        _tc4_body,
        grid=(_GRID,),
        in_specs=[
            pl.BlockSpec((NC, _R, 128), lambda i: (0, i, 0)),
            pl.BlockSpec((_R, 1), lambda i: (i, 0)),
        ],
        out_specs=pl.BlockSpec((_R, OUT_DIM), lambda i: (i, 0)),
        out_shape=jax.ShapeDtypeStruct((N, OUT_DIM), jnp.float32),
    )(acc3, dis)


def kernel(x, edge_index, W1, b1, W2, b2, W3, b3):
    src = edge_index[0].astype(jnp.int32)
    dst = edge_index[1].astype(jnp.int32)
    dstb = dst.reshape(NT, NCHUNK, CH)
    srcb = jnp.stack([src, src + N]).reshape(NC, NT, NCHUNK, CH)
    dst_deg = dst.reshape(NC * NT, DEG_NCHUNK, DEG_CH)
    ones16 = jnp.ones((ROWS_PT, 16), jnp.float32)

    deg = _deg_kernel(dst_deg, ones16).reshape(NC, N, 16)

    y1, dis = _tc1(x, W1, b1.reshape(1, HID_DIM), deg)
    acc1 = _prop128(y1.reshape(NC * N, 128), srcb, dstb)
    y2 = _tc2(acc1.reshape(NC, N, 128), W2, b2.reshape(1, LAT_DIM), dis)
    acc2 = _prop64(y2.reshape(NC * N, 64), srcb, dstb)
    y3 = _tc3(acc2.reshape(NC, N, 64), W3, b3.reshape(1, OUT_DIM), dis)
    acc3 = _prop128(y3.reshape(NC * N, 128), srcb, dstb)
    return _tc4(acc3.reshape(NC, N, 128), dis)

# --- scband reference (transcript-rebuilt; emitter-appended) ---
"""Pipeline reference for scband-gae-9783935500971 (READ-ONLY COPY).

The authoritative reference and input builder live on the scoring server;
editing this copy changes nothing except your own understanding.
"""

import jax, jax.numpy as jnp
import numpy as np

N_NODES = 10000
N_EDGES = 160000
IN_DIM = 256
HID_DIM = 256
LAT_DIM = 128
OUT_DIM = 256


def gcn_conv(x, edge_index, W, b):
    # Standard GCNConv with self-loops and symmetric degree normalization.
    n = x.shape[0]
    loop = jnp.arange(n, dtype=edge_index.dtype)
    src = jnp.concatenate([edge_index[0], loop])
    dst = jnp.concatenate([edge_index[1], loop])
    h = x @ W + b
    deg = jnp.zeros((n,), dtype=h.dtype).at[dst].add(1.0)
    deg_inv_sqrt = jnp.where(deg > 0, 1.0 / jnp.sqrt(deg), 0.0)
    norm = deg_inv_sqrt[src] * deg_inv_sqrt[dst]
    msgs = h[src] * norm[:, None]
    out = jnp.zeros_like(h).at[dst].add(msgs)
    return out


def setup_inputs(seed: int = 0) -> dict:
    key = jax.random.key(seed)
    ks = jax.random.split(key, 8)
    x = jax.random.normal(ks[0], (N_NODES, IN_DIM), dtype=jnp.float32)
    edge_index = jax.random.randint(ks[1], (2, N_EDGES), 0, N_NODES, dtype=jnp.int64 if jax.config.read('jax_enable_x64') else jnp.int32)
    s1 = 1.0 / np.sqrt(IN_DIM)
    s2 = 1.0 / np.sqrt(HID_DIM)
    s3 = 1.0 / np.sqrt(LAT_DIM)
    W1 = jax.random.uniform(ks[2], (IN_DIM, HID_DIM), jnp.float32, -s1, s1)
    b1 = jnp.zeros((HID_DIM,), jnp.float32)
    W2 = jax.random.uniform(ks[3], (HID_DIM, LAT_DIM), jnp.float32, -s2, s2)
    b2 = jnp.zeros((LAT_DIM,), jnp.float32)
    W3 = jax.random.uniform(ks[4], (LAT_DIM, OUT_DIM), jnp.float32, -s3, s3)
    b3 = jnp.zeros((OUT_DIM,), jnp.float32)
    return {"x": x, "edge_index": edge_index, "W1": W1, "b1": b1, "W2": W2, "b2": b2, "W3": W3, "b3": b3}


def reference(x, edge_index, W1, b1, W2, b2, W3, b3):
    # Encoder: two GCN layers (input -> hidden -> latent)
    h = jax.nn.relu(gcn_conv(x, edge_index, W1, b1))
    z = gcn_conv(h, edge_index, W2, b2)
    # Feature decoder: one GCN layer (latent -> output)
    recon_x = gcn_conv(z, edge_index, W3, b3)
    return recon_x

if __name__ == "__main__":
    import jax
    _d = setup_inputs()
    print(jax.jit(kernel)(*tuple(_d.values())))

</pallas_src>

<mosaic_0001>
#map = affine_map<(d0, d1) -> (0, 0)>
#map1 = affine_map<(d0, d1) -> (0, 0, 0, 0)>
#map2 = affine_map<(d0, d1) -> (0, 0, 0)>
module attributes {stable_mosaic.version = 14 : i64} {
  func.func @prop(%arg0: i32, %arg1: i32, %arg2: memref<20000x128xf32, #tpu.memory_space<hbm>>, %arg3: memref<2x16x80x125xi32, #tpu.memory_space<hbm>>, %arg4: memref<16x80x125xi32, #tpu.memory_space<hbm>>, %arg5: memref<20000x128xf32, #tpu.memory_space<hbm>>, %arg6: memref<80x125xi32, #tpu.memory_space<vmem>>, %arg7: memref<80x125xi32, #tpu.memory_space<vmem>>, %arg8: memref<125x128xf32, #tpu.memory_space<vmem>>, %arg9: memref<10000x128xf32, #tpu.memory_space<vmem_shared>>, %arg10: memref<!tpu.dma_semaphore, #tpu.memory_space<semaphore_mem>>) attributes {dimension_semantics = [#tpu.dimension_semantics<core_parallel>, #tpu.dimension_semantics<subcore_parallel>], iteration_bounds = array<i64: 2, 16>, scalar_prefetch = 0 : i64, scratch_operands = 5 : i64, tpu.core_type = #tpu.core_type<sc_vector_subcore>, window_params = [{transform_indices = #map}, {transform_indices = #map1}, {transform_indices = #map2}, {transform_indices = #map}]} {
    "tpu.region"() ({
      %run_scoped3A = tpu.sem_alloc : memref<!tpu.dma_semaphore, #tpu.memory_space<semaphore_mem>>
      %dma_start3A = arith.constant 0 : i32
      %dma_start3A_18 = arith.constant 0 : i32
      %dma_start3A_19 = tpu.memref_slice %arg3[%arg0, %arg1, %dma_start3A, %dma_start3A_18] : memref<2x16x80x125xi32, #tpu.memory_space<hbm>> -> memref<1x1x80x125xi32, #tpu.memory_space<hbm>>
      %dma_start3A_20 = tpu.memref_squeeze %dma_start3A_19 : memref<1x1x80x125xi32, #tpu.memory_space<hbm>> -> memref<80x125xi32, #tpu.memory_space<hbm>>
      %dma_start3A_21 = arith.constant 0 : i32
      %dma_start3A_22 = arith.constant 0 : i32
      %dma_start3A_23 = tpu.memref_slice %arg3[%arg0, %arg1, %dma_start3A_21, %dma_start3A_22] : memref<2x16x80x125xi32, #tpu.memory_space<hbm>> -> memref<1x1x80x125xi32, #tpu.memory_space<hbm>>
      %dma_start3A_24 = tpu.memref_squeeze %dma_start3A_23 : memref<1x1x80x125xi32, #tpu.memory_space<hbm>> -> memref<80x125xi32, #tpu.memory_space<hbm>>
      tpu.enqueue_dma source(%dma_start3A_24 : memref<80x125xi32, #tpu.memory_space<hbm>>) target(%arg6 : memref<80x125xi32, #tpu.memory_space<vmem>>) target_semaphore(%run_scoped3A : memref<!tpu.dma_semaphore, #tpu.memory_space<semaphore_mem>>)
      %dma_wait3A = arith.constant 0 : i32
      %dma_wait3A_25 = arith.constant 0 : i32
      %dma_wait3A_26 = tpu.memref_slice %arg3[%arg0, %arg1, %dma_wait3A, %dma_wait3A_25] : memref<2x16x80x125xi32, #tpu.memory_space<hbm>> -> memref<1x1x80x125xi32, #tpu.memory_space<hbm>>
      %dma_wait3A_27 = tpu.memref_squeeze %dma_wait3A_26 : memref<1x1x80x125xi32, #tpu.memory_space<hbm>> -> memref<80x125xi32, #tpu.memory_space<hbm>>
      %dma_wait3A_28 = arith.constant 0 : i32
      %dma_wait3A_29 = arith.constant 0 : i32
      %dma_wait3A_30 = tpu.memref_slice %arg3[%arg0, %arg1, %dma_wait3A_28, %dma_wait3A_29] : memref<2x16x80x125xi32, #tpu.memory_space<hbm>> -> memref<1x1x80x125xi32, #tpu.memory_space<hbm>>
      %dma_wait3A_31 = tpu.memref_squeeze %dma_wait3A_30 : memref<1x1x80x125xi32, #tpu.memory_space<hbm>> -> memref<80x125xi32, #tpu.memory_space<hbm>>
      tpu.wait_dma2 semaphore(%run_scoped3A : memref<!tpu.dma_semaphore, #tpu.memory_space<semaphore_mem>>) src(%dma_wait3A_31 : memref<80x125xi32, #tpu.memory_space<hbm>>) dst(%arg6 : memref<80x125xi32, #tpu.memory_space<vmem>>)
      tpu.yield
    }) : () -> ()
    "tpu.region"() ({
      %run_scoped3A = tpu.sem_alloc : memref<!tpu.dma_semaphore, #tpu.memory_space<semaphore_mem>>
      %dma_start3A = arith.constant 0 : i32
      %dma_start3A_18 = arith.constant 0 : i32
      %dma_start3A_19 = tpu.memref_slice %arg4[%arg1, %dma_start3A, %dma_start3A_18] : memref<16x80x125xi32, #tpu.memory_space<hbm>> -> memref<1x80x125xi32, #tpu.memory_space<hbm>>
      %dma_start3A_20 = tpu.memref_squeeze %dma_start3A_19 : memref<1x80x125xi32, #tpu.memory_space<hbm>> -> memref<80x125xi32, #tpu.memory_space<hbm>>
      %dma_start3A_21 = arith.constant 0 : i32
      %dma_start3A_22 = arith.constant 0 : i32
      %dma_start3A_23 = tpu.memref_slice %arg4[%arg1, %dma_start3A_21, %dma_start3A_22] : memref<16x80x125xi32, #tpu.memory_space<hbm>> -> memref<1x80x125xi32, #tpu.memory_space<hbm>>
      %dma_start3A_24 = tpu.memref_squeeze %dma_start3A_23 : memref<1x80x125xi32, #tpu.memory_space<hbm>> -> memref<80x125xi32, #tpu.memory_space<hbm>>
      tpu.enqueue_dma source(%dma_start3A_24 : memref<80x125xi32, #tpu.memory_space<hbm>>) target(%arg7 : memref<80x125xi32, #tpu.memory_space<vmem>>) target_semaphore(%run_scoped3A : memref<!tpu.dma_semaphore, #tpu.memory_space<semaphore_mem>>)
      %dma_wait3A = arith.constant 0 : i32
      %dma_wait3A_25 = arith.constant 0 : i32
      %dma_wait3A_26 = tpu.memref_slice %arg4[%arg1, %dma_wait3A, %dma_wait3A_25] : memref<16x80x125xi32, #tpu.memory_space<hbm>> -> memref<1x80x125xi32, #tpu.memory_space<hbm>>
      %dma_wait3A_27 = tpu.memref_squeeze %dma_wait3A_26 : memref<1x80x125xi32, #tpu.memory_space<hbm>> -> memref<80x125xi32, #tpu.memory_space<hbm>>
      %dma_wait3A_28 = arith.constant 0 : i32
      %dma_wait3A_29 = arith.constant 0 : i32
      %dma_wait3A_30 = tpu.memref_slice %arg4[%arg1, %dma_wait3A_28, %dma_wait3A_29] : memref<16x80x125xi32, #tpu.memory_space<hbm>> -> memref<1x80x125xi32, #tpu.memory_space<hbm>>
      %dma_wait3A_31 = tpu.memref_squeeze %dma_wait3A_30 : memref<1x80x125xi32, #tpu.memory_space<hbm>> -> memref<80x125xi32, #tpu.memory_space<hbm>>
      tpu.wait_dma2 semaphore(%run_scoped3A : memref<!tpu.dma_semaphore, #tpu.memory_space<semaphore_mem>>) src(%dma_wait3A_31 : memref<80x125xi32, #tpu.memory_space<hbm>>) dst(%arg7 : memref<80x125xi32, #tpu.memory_space<vmem>>)
      tpu.yield
    }) : () -> ()
    %scan3A = arith.constant 0 : i32
    %scan3A_0 = arith.constant 0 : i32
    %scan3A_1 = arith.constant 5 : i32
    %scan3A_2 = arith.addi %scan3A_0, %scan3A_1 : i32
    %scan3A_3 = arith.constant 1 : i32
    scf.for %scan3A_18 = %scan3A_0 to %scan3A_2 step %scan3A_3  : i32 {
      %mul3A = arith.constant 10000 : i32
      %mul3A_19 = arith.muli %arg0, %mul3A : i32
      %mul3A_20 = arith.constant 625 : i32
      %mul3A_21 = arith.muli %arg1, %mul3A_20 : i32
      %add3A = arith.addi %mul3A_19, %mul3A_21 : i32
      %mul3A_22 = arith.constant 125 : i32
      %mul3A_23 = arith.muli %scan3A_18, %mul3A_22 : i32
      %add3A_24 = arith.addi %add3A, %mul3A_23 : i32
      "tpu.region"() ({
        %run_scoped3A = tpu.sem_alloc : memref<!tpu.dma_semaphore, #tpu.memory_space<semaphore_mem>>
        %dma_start3A = arith.constant 0 : i32
        %dma_start3A_30 = tpu.memref_slice %arg2[%add3A_24, %dma_start3A] : memref<20000x128xf32, #tpu.memory_space<hbm>> -> memref<125x128xf32, #tpu.memory_space<hbm>>
        %dma_start3A_31 = arith.constant 0 : i32
        %dma_start3A_32 = tpu.memref_slice %arg2[%add3A_24, %dma_start3A_31] : memref<20000x128xf32, #tpu.memory_space<hbm>> -> memref<125x128xf32, #tpu.memory_space<hbm>>
        tpu.enqueue_dma source(%dma_start3A_32 : memref<125x128xf32, #tpu.memory_space<hbm>>) target(%arg8 : memref<125x128xf32, #tpu.memory_space<vmem>>) target_semaphore(%run_scoped3A : memref<!tpu.dma_semaphore, #tpu.memory_space<semaphore_mem>>)
        %dma_wait3A = arith.constant 0 : i32
        %dma_wait3A_33 = tpu.memref_slice %arg2[%add3A_24, %dma_wait3A] : memref<20000x128xf32, #tpu.memory_space<hbm>> -> memref<125x128xf32, #tpu.memory_space<hbm>>
        %dma_wait3A_34 = arith.constant 0 : i32
        %dma_wait3A_35 = tpu.memref_slice %arg2[%add3A_24, %dma_wait3A_34] : memref<20000x128xf32, #tpu.memory_space<hbm>> -> memref<125x128xf32, #tpu.memory_space<hbm>>
        tpu.wait_dma2 semaphore(%run_scoped3A : memref<!tpu.dma_semaphore, #tpu.memory_space<semaphore_mem>>) src(%dma_wait3A_35 : memref<125x128xf32, #tpu.memory_space<hbm>>) dst(%arg8 : memref<125x128xf32, #tpu.memory_space<vmem>>)
        tpu.yield
      }) : () -> ()
      %mul3A_25 = arith.constant 625 : i32
      %mul3A_26 = arith.muli %arg1, %mul3A_25 : i32
      %mul3A_27 = arith.constant 125 : i32
      %mul3A_28 = arith.muli %scan3A_18, %mul3A_27 : i32
      %add3A_29 = arith.addi %mul3A_26, %mul3A_28 : i32
      "tpu.region"() ({
        %run_scoped3A = tpu.sem_alloc : memref<!tpu.dma_semaphore, #tpu.memory_space<semaphore_mem>>
        %dma_start3A = arith.constant 0 : i32
        %dma_start3A_30 = tpu.memref_slice %arg9[%add3A_29, %dma_start3A] : memref<10000x128xf32, #tpu.memory_space<vmem_shared>> -> memref<125x128xf32, #tpu.memory_space<vmem_shared>>
        %dma_start3A_31 = arith.constant 0 : i32
        %dma_start3A_32 = tpu.memref_slice %arg9[%add3A_29, %dma_start3A_31] : memref<10000x128xf32, #tpu.memory_space<vmem_shared>> -> memref<125x128xf32, #tpu.memory_space<vmem_shared>>
        tpu.enqueue_dma source(%arg8 : memref<125x128xf32, #tpu.memory_space<vmem>>) target(%dma_start3A_32 : memref<125x128xf32, #tpu.memory_space<vmem_shared>>) target_semaphore(%run_scoped3A : memref<!tpu.dma_semaphore, #tpu.memory_space<semaphore_mem>>)
        %dma_wait3A = arith.constant 0 : i32
        %dma_wait3A_33 = tpu.memref_slice %arg9[%add3A_29, %dma_wait3A] : memref<10000x128xf32, #tpu.memory_space<vmem_shared>> -> memref<125x128xf32, #tpu.memory_space<vmem_shared>>
        %dma_wait3A_34 = arith.constant 0 : i32
        %dma_wait3A_35 = tpu.memref_slice %arg9[%add3A_29, %dma_wait3A_34] : memref<10000x128xf32, #tpu.memory_space<vmem_shared>> -> memref<125x128xf32, #tpu.memory_space<vmem_shared>>
        tpu.wait_dma2 semaphore(%run_scoped3A : memref<!tpu.dma_semaphore, #tpu.memory_space<semaphore_mem>>) src(%arg8 : memref<125x128xf32, #tpu.memory_space<vmem>>) dst(%dma_wait3A_35 : memref<125x128xf32, #tpu.memory_space<vmem_shared>>)
        tpu.yield
      }) : () -> ()
    }
    %scan3A_4 = arith.constant 5 : i32
    %barrier3A = arith.constant 0 : index
    tpu.barrier barrier_id(%barrier3A)
    %scan3A_5 = arith.constant 0 : i32
    %scan3A_6 = arith.constant 0 : i32
    %scan3A_7 = arith.constant 80 : i32
    %scan3A_8 = arith.addi %scan3A_6, %scan3A_7 : i32
    %scan3A_9 = arith.constant 1 : i32
    scf.for %scan3A_18 = %scan3A_6 to %scan3A_8 step %scan3A_9  : i32 {
      %dma_start3A = arith.constant 0 : i32
      %dma_start3A_19 = tpu.memref_slice %arg6[%scan3A_18, %dma_start3A] : memref<80x125xi32, #tpu.memory_space<vmem>> -> memref<1x125xi32, #tpu.memory_space<vmem>>
      %dma_start3A_20 = tpu.memref_squeeze %dma_start3A_19 : memref<1x125xi32, #tpu.memory_space<vmem>> -> memref<125xi32, #tpu.memory_space<vmem>>
      %dma_start3A_21 = arith.constant 0 : i32
      %dma_start3A_22 = arith.constant 0 : i32
      %dma_start3A_23 = tpu.memref_slice %arg2[%dma_start3A_21, %dma_start3A_22] : memref<20000x128xf32, #tpu.memory_space<hbm>> -> memref<20000x128xf32, #tpu.memory_space<hbm>>
      tpu.enqueue_indirect_dma source(%dma_start3A_23 : memref<20000x128xf32, #tpu.memory_space<hbm>>) target(%arg8 : memref<125x128xf32, #tpu.memory_space<vmem>>) offsets(%dma_start3A_20 : memref<125xi32, #tpu.memory_space<vmem>>) semaphore(%arg10 : memref<!tpu.dma_semaphore, #tpu.memory_space<semaphore_mem>>)
      %dma_wait3A = arith.constant 0 : i32
      %dma_wait3A_24 = tpu.memref_slice %arg6[%scan3A_18, %dma_wait3A] : memref<80x125xi32, #tpu.memory_space<vmem>> -> memref<1x125xi32, #tpu.memory_space<vmem>>
      %dma_wait3A_25 = tpu.memref_squeeze %dma_wait3A_24 : memref<1x125xi32, #tpu.memory_space<vmem>> -> memref<125xi32, #tpu.memory_space<vmem>>
      %dma_wait3A_26 = arith.constant 0 : i32
      %dma_wait3A_27 = arith.constant 0 : i32
      %dma_wait3A_28 = tpu.memref_slice %arg2[%dma_wait3A_26, %dma_wait3A_27] : memref<20000x128xf32, #tpu.memory_space<hbm>> -> memref<20000x128xf32, #tpu.memory_space<hbm>>
      tpu.wait_indirect_dma semaphore(%arg10 : memref<!tpu.dma_semaphore, #tpu.memory_space<semaphore_mem>>) src(%dma_wait3A_28 : memref<20000x128xf32, #tpu.memory_space<hbm>>) dst(%arg8 : memref<125x128xf32, #tpu.memory_space<vmem>>)
      "tpu.region"() ({
        %run_scoped3A = tpu.sem_alloc : memref<!tpu.dma_semaphore, #tpu.memory_space<semaphore_mem>>
        %dma_start3A_29 = arith.constant 0 : i32
        %dma_start3A_30 = tpu.memref_slice %arg7[%scan3A_18, %dma_start3A_29] : memref<80x125xi32, #tpu.memory_space<vmem>> -> memref<1x125xi32, #tpu.memory_space<vmem>>
        %dma_start3A_31 = tpu.memref_squeeze %dma_start3A_30 : memref<1x125xi32, #tpu.memory_space<vmem>> -> memref<125xi32, #tpu.memory_space<vmem>>
        %dma_start3A_32 = arith.constant 0 : i32
        %dma_start3A_33 = arith.constant 0 : i32
        %dma_start3A_34 = tpu.memref_slice %arg9[%dma_start3A_32, %dma_start3A_33] : memref<10000x128xf32, #tpu.memory_space<vmem_shared>> -> memref<10000x128xf32, #tpu.memory_space<vmem_shared>>
        tpu.enqueue_indirect_dma source(%arg8 : memref<125x128xf32, #tpu.memory_space<vmem>>) target(%dma_start3A_34 : memref<10000x128xf32, #tpu.memory_space<vmem_shared>>) offsets(%dma_start3A_31 : memref<125xi32, #tpu.memory_space<vmem>>) semaphore(%run_scoped3A : memref<!tpu.dma_semaphore, #tpu.memory_space<semaphore_mem>>) {add = true}
        %dma_wait3A_35 = arith.constant 0 : i32
        %dma_wait3A_36 = tpu.memref_slice %arg7[%scan3A_18, %dma_wait3A_35] : memref<80x125xi32, #tpu.memory_space<vmem>> -> memref<1x125xi32, #tpu.memory_space<vmem>>
        %dma_wait3A_37 = tpu.memref_squeeze %dma_wait3A_36 : memref<1x125xi32, #tpu.memory_space<vmem>> -> memref<125xi32, #tpu.memory_space<vmem>>
        %dma_wait3A_38 = arith.constant 0 : i32
        %dma_wait3A_39 = arith.constant 0 : i32
        %dma_wait3A_40 = tpu.memref_slice %arg9[%dma_wait3A_38, %dma_wait3A_39] : memref<10000x128xf32, #tpu.memory_space<vmem_shared>> -> memref<10000x128xf32, #tpu.memory_space<vmem_shared>>
        tpu.wait_indirect_dma semaphore(%run_scoped3A : memref<!tpu.dma_semaphore, #tpu.memory_space<semaphore_mem>>) src(%arg8 : memref<125x128xf32, #tpu.memory_space<vmem>>) dst(%dma_wait3A_40 : memref<10000x128xf32, #tpu.memory_space<vmem_shared>>)
        tpu.yield
      }) : () -> ()
    }
    %scan3A_10 = arith.constant 80 : i32
    %barrier3A_11 = arith.constant 0 : index
    tpu.barrier barrier_id(%barrier3A_11)
    %scan3A_12 = arith.constant 0 : i32
    %scan3A_13 = arith.constant 0 : i32
    %scan3A_14 = arith.constant 5 : i32
    %scan3A_15 = arith.addi %scan3A_13, %scan3A_14 : i32
    %scan3A_16 = arith.constant 1 : i32
    scf.for %scan3A_18 = %scan3A_13 to %scan3A_15 step %scan3A_16  : i32 {
      %mul3A = arith.constant 625 : i32
      %mul3A_19 = arith.muli %arg1, %mul3A : i32
      %mul3A_20 = arith.constant 125 : i32
      %mul3A_21 = arith.muli %scan3A_18, %mul3A_20 : i32
      %add3A = arith.addi %mul3A_19, %mul3A_21 : i32
      "tpu.region"() ({
        %run_scoped3A = tpu.sem_alloc : memref<!tpu.dma_semaphore, #tpu.memory_space<semaphore_mem>>
        %dma_start3A = arith.constant 0 : i32
        %dma_start3A_30 = tpu.memref_slice %arg9[%add3A, %dma_start3A] : memref<10000x128xf32, #tpu.memory_space<vmem_shared>> -> memref<125x128xf32, #tpu.memory_space<vmem_shared>>
        %dma_start3A_31 = arith.constant 0 : i32
        %dma_start3A_32 = tpu.memref_slice %arg9[%add3A, %dma_start3A_31] : memref<10000x128xf32, #tpu.memory_space<vmem_shared>> -> memref<125x128xf32, #tpu.memory_space<vmem_shared>>
        tpu.enqueue_dma source(%dma_start3A_32 : memref<125x128xf32, #tpu.memory_space<vmem_shared>>) target(%arg8 : memref<125x128xf32, #tpu.memory_space<vmem>>) target_semaphore(%run_scoped3A : memref<!tpu.dma_semaphore, #tpu.memory_space<semaphore_mem>>)
        %dma_wait3A = arith.constant 0 : i32
        %dma_wait3A_33 = tpu.memref_slice %arg9[%add3A, %dma_wait3A] : memref<10000x128xf32, #tpu.memory_space<vmem_shared>> -> memref<125x128xf32, #tpu.memory_space<vmem_shared>>
        %dma_wait3A_34 = arith.constant 0 : i32
        %dma_wait3A_35 = tpu.memref_slice %arg9[%add3A, %dma_wait3A_34] : memref<10000x128xf32, #tpu.memory_space<vmem_shared>> -> memref<125x128xf32, #tpu.memory_space<vmem_shared>>
        tpu.wait_dma2 semaphore(%run_scoped3A : memref<!tpu.dma_semaphore, #tpu.memory_space<semaphore_mem>>) src(%dma_wait3A_35 : memref<125x128xf32, #tpu.memory_space<vmem_shared>>) dst(%arg8 : memref<125x128xf32, #tpu.memory_space<vmem>>)
        tpu.yield
      }) : () -> ()
      %mul3A_22 = arith.constant 10000 : i32
      %mul3A_23 = arith.muli %arg0, %mul3A_22 : i32
      %mul3A_24 = arith.constant 625 : i32
      %mul3A_25 = arith.muli %arg1, %mul3A_24 : i32
      %add3A_26 = arith.addi %mul3A_23, %mul3A_25 : i32
      %mul3A_27 = arith.constant 125 : i32
      %mul3A_28 = arith.muli %scan3A_18, %mul3A_27 : i32
      %add3A_29 = arith.addi %add3A_26, %mul3A_28 : i32
      "tpu.region"() ({
        %run_scoped3A = tpu.sem_alloc : memref<!tpu.dma_semaphore, #tpu.memory_space<semaphore_mem>>
        %dma_start3A = arith.constant 0 : i32
        %dma_start3A_30 = tpu.memref_slice %arg5[%add3A_29, %dma_start3A] : memref<20000x128xf32, #tpu.memory_space<hbm>> -> memref<125x128xf32, #tpu.memory_space<hbm>>
        %dma_start3A_31 = arith.constant 0 : i32
        %dma_start3A_32 = tpu.memref_slice %arg5[%add3A_29, %dma_start3A_31] : memref<20000x128xf32, #tpu.memory_space<hbm>> -> memref<125x128xf32, #tpu.memory_space<hbm>>
        tpu.enqueue_dma source(%arg8 : memref<125x128xf32, #tpu.memory_space<vmem>>) target(%dma_start3A_32 : memref<125x128xf32, #tpu.memory_space<hbm>>) target_semaphore(%run_scoped3A : memref<!tpu.dma_semaphore, #tpu.memory_space<semaphore_mem>>)
        %dma_wait3A = arith.constant 0 : i32
        %dma_wait3A_33 = tpu.memref_slice %arg5[%add3A_29, %dma_wait3A] : memref<20000x128xf32, #tpu.memory_space<hbm>> -> memref<125x128xf32, #tpu.memory_space<hbm>>
        %dma_wait3A_34 = arith.constant 0 : i32
        %dma_wait3A_35 = tpu.memref_slice %arg5[%add3A_29, %dma_wait3A_34] : memref<20000x128xf32, #tpu.memory_space<hbm>> -> memref<125x128xf32, #tpu.memory_space<hbm>>
        tpu.wait_dma2 semaphore(%run_scoped3A : memref<!tpu.dma_semaphore, #tpu.memory_space<semaphore_mem>>) src(%arg8 : memref<125x128xf32, #tpu.memory_space<vmem>>) dst(%dma_wait3A_35 : memref<125x128xf32, #tpu.memory_space<hbm>>)
        tpu.yield
      }) : () -> ()
    }
    %scan3A_17 = arith.constant 5 : i32
    return
  }
}

#map = affine_map<(d0, d1) -> (0, 0)>
#map1 = affine_map<(d0, d1) -> (0, 0, 0, 0)>
#map2 = affine_map<(d0, d1) -> (0, 0, 0)>
module attributes {stable_mosaic.version = 14 : i64} {
  func.func @prop(%arg0: i32, %arg1: i32, %arg2: memref<20000x64xf32, #tpu.memory_space<hbm>>, %arg3: memref<2x16x80x125xi32, #tpu.memory_space<hbm>>, %arg4: memref<16x80x125xi32, #tpu.memory_space<hbm>>, %arg5: memref<20000x64xf32, #tpu.memory_space<hbm>>, %arg6: memref<80x125xi32, #tpu.memory_space<vmem>>, %arg7: memref<80x125xi32, #tpu.memory_space<vmem>>, %arg8: memref<125x64xf32, #tpu.memory_space<vmem>>, %arg9: memref<10000x64xf32, #tpu.memory_space<vmem_shared>>, %arg10: memref<!tpu.dma_semaphore, #tpu.memory_space<semaphore_mem>>) attributes {dimension_semantics = [#tpu.dimension_semantics<core_parallel>, #tpu.dimension_semantics<subcore_parallel>], iteration_bounds = array<i64: 2, 16>, scalar_prefetch = 0 : i64, scratch_operands = 5 : i64, tpu.core_type = #tpu.core_type<sc_vector_subcore>, window_params = [{transform_indices = #map}, {transform_indices = #map1}, {transform_indices = #map2}, {transform_indices = #map}]} {
    "tpu.region"() ({
      %run_scoped3A = tpu.sem_alloc : memref<!tpu.dma_semaphore, #tpu.memory_space<semaphore_mem>>
      %dma_start3A = arith.constant 0 : i32
      %dma_start3A_18 = arith.constant 0 : i32
      %dma_start3A_19 = tpu.memref_slice %arg3[%arg0, %arg1, %dma_start3A, %dma_start3A_18] : memref<2x16x80x125xi32, #tpu.memory_space<hbm>> -> memref<1x1x80x125xi32, #tpu.memory_space<hbm>>
      %dma_start3A_20 = tpu.memref_squeeze %dma_start3A_19 : memref<1x1x80x125xi32, #tpu.memory_space<hbm>> -> memref<80x125xi32, #tpu.memory_space<hbm>>
      %dma_start3A_21 = arith.constant 0 : i32
      %dma_start3A_22 = arith.constant 0 : i32
      %dma_start3A_23 = tpu.memref_slice %arg3[%arg0, %arg1, %dma_start3A_21, %dma_start3A_22] : memref<2x16x80x125xi32, #tpu.memory_space<hbm>> -> memref<1x1x80x125xi32, #tpu.memory_space<hbm>>
      %dma_start3A_24 = tpu.memref_squeeze %dma_start3A_23 : memref<1x1x80x125xi32, #tpu.memory_space<hbm>> -> memref<80x125xi32, #tpu.memory_space<hbm>>
      tpu.enqueue_dma source(%dma_start3A_24 : memref<80x125xi32, #tpu.memory_space<hbm>>) target(%arg6 : memref<80x125xi32, #tpu.memory_space<vmem>>) target_semaphore(%run_scoped3A : memref<!tpu.dma_semaphore, #tpu.memory_space<semaphore_mem>>)
      %dma_wait3A = arith.constant 0 : i32
      %dma_wait3A_25 = arith.constant 0 : i32
      %dma_wait3A_26 = tpu.memref_slice %arg3[%arg0, %arg1, %dma_wait3A, %dma_wait3A_25] : memref<2x16x80x125xi32, #tpu.memory_space<hbm>> -> memref<1x1x80x125xi32, #tpu.memory_space<hbm>>
      %dma_wait3A_27 = tpu.memref_squeeze %dma_wait3A_26 : memref<1x1x80x125xi32, #tpu.memory_space<hbm>> -> memref<80x125xi32, #tpu.memory_space<hbm>>
      %dma_wait3A_28 = arith.constant 0 : i32
      %dma_wait3A_29 = arith.constant 0 : i32
      %dma_wait3A_30 = tpu.memref_slice %arg3[%arg0, %arg1, %dma_wait3A_28, %dma_wait3A_29] : memref<2x16x80x125xi32, #tpu.memory_space<hbm>> -> memref<1x1x80x125xi32, #tpu.memory_space<hbm>>
      %dma_wait3A_31 = tpu.memref_squeeze %dma_wait3A_30 : memref<1x1x80x125xi32, #tpu.memory_space<hbm>> -> memref<80x125xi32, #tpu.memory_space<hbm>>
      tpu.wait_dma2 semaphore(%run_scoped3A : memref<!tpu.dma_semaphore, #tpu.memory_space<semaphore_mem>>) src(%dma_wait3A_31 : memref<80x125xi32, #tpu.memory_space<hbm>>) dst(%arg6 : memref<80x125xi32, #tpu.memory_space<vmem>>)
      tpu.yield
    }) : () -> ()
    "tpu.region"() ({
      %run_scoped3A = tpu.sem_alloc : memref<!tpu.dma_semaphore, #tpu.memory_space<semaphore_mem>>
      %dma_start3A = arith.constant 0 : i32
      %dma_start3A_18 = arith.constant 0 : i32
      %dma_start3A_19 = tpu.memref_slice %arg4[%arg1, %dma_start3A, %dma_start3A_18] : memref<16x80x125xi32, #tpu.memory_space<hbm>> -> memref<1x80x125xi32, #tpu.memory_space<hbm>>
      %dma_start3A_20 = tpu.memref_squeeze %dma_start3A_19 : memref<1x80x125xi32, #tpu.memory_space<hbm>> -> memref<80x125xi32, #tpu.memory_space<hbm>>
      %dma_start3A_21 = arith.constant 0 : i32
      %dma_start3A_22 = arith.constant 0 : i32
      %dma_start3A_23 = tpu.memref_slice %arg4[%arg1, %dma_start3A_21, %dma_start3A_22] : memref<16x80x125xi32, #tpu.memory_space<hbm>> -> memref<1x80x125xi32, #tpu.memory_space<hbm>>
      %dma_start3A_24 = tpu.memref_squeeze %dma_start3A_23 : memref<1x80x125xi32, #tpu.memory_space<hbm>> -> memref<80x125xi32, #tpu.memory_space<hbm>>
      tpu.enqueue_dma source(%dma_start3A_24 : memref<80x125xi32, #tpu.memory_space<hbm>>) target(%arg7 : memref<80x125xi32, #tpu.memory_space<vmem>>) target_semaphore(%run_scoped3A : memref<!tpu.dma_semaphore, #tpu.memory_space<semaphore_mem>>)
      %dma_wait3A = arith.constant 0 : i32
      %dma_wait3A_25 = arith.constant 0 : i32
      %dma_wait3A_26 = tpu.memref_slice %arg4[%arg1, %dma_wait3A, %dma_wait3A_25] : memref<16x80x125xi32, #tpu.memory_space<hbm>> -> memref<1x80x125xi32, #tpu.memory_space<hbm>>
      %dma_wait3A_27 = tpu.memref_squeeze %dma_wait3A_26 : memref<1x80x125xi32, #tpu.memory_space<hbm>> -> memref<80x125xi32, #tpu.memory_space<hbm>>
      %dma_wait3A_28 = arith.constant 0 : i32
      %dma_wait3A_29 = arith.constant 0 : i32
      %dma_wait3A_30 = tpu.memref_slice %arg4[%arg1, %dma_wait3A_28, %dma_wait3A_29] : memref<16x80x125xi32, #tpu.memory_space<hbm>> -> memref<1x80x125xi32, #tpu.memory_space<hbm>>
      %dma_wait3A_31 = tpu.memref_squeeze %dma_wait3A_30 : memref<1x80x125xi32, #tpu.memory_space<hbm>> -> memref<80x125xi32, #tpu.memory_space<hbm>>
      tpu.wait_dma2 semaphore(%run_scoped3A : memref<!tpu.dma_semaphore, #tpu.memory_space<semaphore_mem>>) src(%dma_wait3A_31 : memref<80x125xi32, #tpu.memory_space<hbm>>) dst(%arg7 : memref<80x125xi32, #tpu.memory_space<vmem>>)
      tpu.yield
    }) : () -> ()
    %scan3A = arith.constant 0 : i32
    %scan3A_0 = arith.constant 0 : i32
    %scan3A_1 = arith.constant 5 : i32
    %scan3A_2 = arith.addi %scan3A_0, %scan3A_1 : i32
    %scan3A_3 = arith.constant 1 : i32
    scf.for %scan3A_18 = %scan3A_0 to %scan3A_2 step %scan3A_3  : i32 {
      %mul3A = arith.constant 10000 : i32
      %mul3A_19 = arith.muli %arg0, %mul3A : i32
      %mul3A_20 = arith.constant 625 : i32
      %mul3A_21 = arith.muli %arg1, %mul3A_20 : i32
      %add3A = arith.addi %mul3A_19, %mul3A_21 : i32
      %mul3A_22 = arith.constant 125 : i32
      %mul3A_23 = arith.muli %scan3A_18, %mul3A_22 : i32
      %add3A_24 = arith.addi %add3A, %mul3A_23 : i32
      "tpu.region"() ({
        %run_scoped3A = tpu.sem_alloc : memref<!tpu.dma_semaphore, #tpu.memory_space<semaphore_mem>>
        %dma_start3A = arith.constant 0 : i32
        %dma_start3A_30 = tpu.memref_slice %arg2[%add3A_24, %dma_start3A] : memref<20000x64xf32, #tpu.memory_space<hbm>> -> memref<125x64xf32, #tpu.memory_space<hbm>>
        %dma_start3A_31 = arith.constant 0 : i32
        %dma_start3A_32 = tpu.memref_slice %arg2[%add3A_24, %dma_start3A_31] : memref<20000x64xf32, #tpu.memory_space<hbm>> -> memref<125x64xf32, #tpu.memory_space<hbm>>
        tpu.enqueue_dma source(%dma_start3A_32 : memref<125x64xf32, #tpu.memory_space<hbm>>) target(%arg8 : memref<125x64xf32, #tpu.memory_space<vmem>>) target_semaphore(%run_scoped3A : memref<!tpu.dma_semaphore, #tpu.memory_space<semaphore_mem>>)
        %dma_wait3A = arith.constant 0 : i32
        %dma_wait3A_33 = tpu.memref_slice %arg2[%add3A_24, %dma_wait3A] : memref<20000x64xf32, #tpu.memory_space<hbm>> -> memref<125x64xf32, #tpu.memory_space<hbm>>
        %dma_wait3A_34 = arith.constant 0 : i32
        %dma_wait3A_35 = tpu.memref_slice %arg2[%add3A_24, %dma_wait3A_34] : memref<20000x64xf32, #tpu.memory_space<hbm>> -> memref<125x64xf32, #tpu.memory_space<hbm>>
        tpu.wait_dma2 semaphore(%run_scoped3A : memref<!tpu.dma_semaphore, #tpu.memory_space<semaphore_mem>>) src(%dma_wait3A_35 : memref<125x64xf32, #tpu.memory_space<hbm>>) dst(%arg8 : memref<125x64xf32, #tpu.memory_space<vmem>>)
        tpu.yield
      }) : () -> ()
      %mul3A_25 = arith.constant 625 : i32
      %mul3A_26 = arith.muli %arg1, %mul3A_25 : i32
      %mul3A_27 = arith.constant 125 : i32
      %mul3A_28 = arith.muli %scan3A_18, %mul3A_27 : i32
      %add3A_29 = arith.addi %mul3A_26, %mul3A_28 : i32
      "tpu.region"() ({
        %run_scoped3A = tpu.sem_alloc : memref<!tpu.dma_semaphore, #tpu.memory_space<semaphore_mem>>
        %dma_start3A = arith.constant 0 : i32
        %dma_start3A_30 = tpu.memref_slice %arg9[%add3A_29, %dma_start3A] : memref<10000x64xf32, #tpu.memory_space<vmem_shared>> -> memref<125x64xf32, #tpu.memory_space<vmem_shared>>
        %dma_start3A_31 = arith.constant 0 : i32
        %dma_start3A_32 = tpu.memref_slice %arg9[%add3A_29, %dma_start3A_31] : memref<10000x64xf32, #tpu.memory_space<vmem_shared>> -> memref<125x64xf32, #tpu.memory_space<vmem_shared>>
        tpu.enqueue_dma source(%arg8 : memref<125x64xf32, #tpu.memory_space<vmem>>) target(%dma_start3A_32 : memref<125x64xf32, #tpu.memory_space<vmem_shared>>) target_semaphore(%run_scoped3A : memref<!tpu.dma_semaphore, #tpu.memory_space<semaphore_mem>>)
        %dma_wait3A = arith.constant 0 : i32
        %dma_wait3A_33 = tpu.memref_slice %arg9[%add3A_29, %dma_wait3A] : memref<10000x64xf32, #tpu.memory_space<vmem_shared>> -> memref<125x64xf32, #tpu.memory_space<vmem_shared>>
        %dma_wait3A_34 = arith.constant 0 : i32
        %dma_wait3A_35 = tpu.memref_slice %arg9[%add3A_29, %dma_wait3A_34] : memref<10000x64xf32, #tpu.memory_space<vmem_shared>> -> memref<125x64xf32, #tpu.memory_space<vmem_shared>>
        tpu.wait_dma2 semaphore(%run_scoped3A : memref<!tpu.dma_semaphore, #tpu.memory_space<semaphore_mem>>) src(%arg8 : memref<125x64xf32, #tpu.memory_space<vmem>>) dst(%dma_wait3A_35 : memref<125x64xf32, #tpu.memory_space<vmem_shared>>)
        tpu.yield
      }) : () -> ()
    }
    %scan3A_4 = arith.constant 5 : i32
    %barrier3A = arith.constant 0 : index
    tpu.barrier barrier_id(%barrier3A)
    %scan3A_5 = arith.constant 0 : i32
    %scan3A_6 = arith.constant 0 : i32
    %scan3A_7 = arith.constant 80 : i32
    %scan3A_8 = arith.addi %scan3A_6, %scan3A_7 : i32
    %scan3A_9 = arith.constant 1 : i32
    scf.for %scan3A_18 = %scan3A_6 to %scan3A_8 step %scan3A_9  : i32 {
      %dma_start3A = arith.constant 0 : i32
      %dma_start3A_19 = tpu.memref_slice %arg6[%scan3A_18, %dma_start3A] : memref<80x125xi32, #tpu.memory_space<vmem>> -> memref<1x125xi32, #tpu.memory_space<vmem>>
      %dma_start3A_20 = tpu.memref_squeeze %dma_start3A_19 : memref<1x125xi32, #tpu.memory_space<vmem>> -> memref<125xi32, #tpu.memory_space<vmem>>
      %dma_start3A_21 = arith.constant 0 : i32
      %dma_start3A_22 = arith.constant 0 : i32
      %dma_start3A_23 = tpu.memref_slice %arg2[%dma_start3A_21, %dma_start3A_22] : memref<20000x64xf32, #tpu.memory_space<hbm>> -> memref<20000x64xf32, #tpu.memory_space<hbm>>
      tpu.enqueue_indirect_dma source(%dma_start3A_23 : memref<20000x64xf32, #tpu.memory_space<hbm>>) target(%arg8 : memref<125x64xf32, #tpu.memory_space<vmem>>) offsets(%dma_start3A_20 : memref<125xi32, #tpu.memory_space<vmem>>) semaphore(%arg10 : memref<!tpu.dma_semaphore, #tpu.memory_space<semaphore_mem>>)
      %dma_wait3A = arith.constant 0 : i32
      %dma_wait3A_24 = tpu.memref_slice %arg6[%scan3A_18, %dma_wait3A] : memref<80x125xi32, #tpu.memory_space<vmem>> -> memref<1x125xi32, #tpu.memory_space<vmem>>
      %dma_wait3A_25 = tpu.memref_squeeze %dma_wait3A_24 : memref<1x125xi32, #tpu.memory_space<vmem>> -> memref<125xi32, #tpu.memory_space<vmem>>
      %dma_wait3A_26 = arith.constant 0 : i32
      %dma_wait3A_27 = arith.constant 0 : i32
      %dma_wait3A_28 = tpu.memref_slice %arg2[%dma_wait3A_26, %dma_wait3A_27] : memref<20000x64xf32, #tpu.memory_space<hbm>> -> memref<20000x64xf32, #tpu.memory_space<hbm>>
      tpu.wait_indirect_dma semaphore(%arg10 : memref<!tpu.dma_semaphore, #tpu.memory_space<semaphore_mem>>) src(%dma_wait3A_28 : memref<20000x64xf32, #tpu.memory_space<hbm>>) dst(%arg8 : memref<125x64xf32, #tpu.memory_space<vmem>>)
      "tpu.region"() ({
        %run_scoped3A = tpu.sem_alloc : memref<!tpu.dma_semaphore, #tpu.memory_space<semaphore_mem>>
        %dma_start3A_29 = arith.constant 0 : i32
        %dma_start3A_30 = tpu.memref_slice %arg7[%scan3A_18, %dma_start3A_29] : memref<80x125xi32, #tpu.memory_space<vmem>> -> memref<1x125xi32, #tpu.memory_space<vmem>>
        %dma_start3A_31 = tpu.memref_squeeze %dma_start3A_30 : memref<1x125xi32, #tpu.memory_space<vmem>> -> memref<125xi32, #tpu.memory_space<vmem>>
        %dma_start3A_32 = arith.constant 0 : i32
        %dma_start3A_33 = arith.constant 0 : i32
        %dma_start3A_34 = tpu.memref_slice %arg9[%dma_start3A_32, %dma_start3A_33] : memref<10000x64xf32, #tpu.memory_space<vmem_shared>> -> memref<10000x64xf32, #tpu.memory_space<vmem_shared>>
        tpu.enqueue_indirect_dma source(%arg8 : memref<125x64xf32, #tpu.memory_space<vmem>>) target(%dma_start3A_34 : memref<10000x64xf32, #tpu.memory_space<vmem_shared>>) offsets(%dma_start3A_31 : memref<125xi32, #tpu.memory_space<vmem>>) semaphore(%run_scoped3A : memref<!tpu.dma_semaphore, #tpu.memory_space<semaphore_mem>>) {add = true}
        %dma_wait3A_35 = arith.constant 0 : i32
        %dma_wait3A_36 = tpu.memref_slice %arg7[%scan3A_18, %dma_wait3A_35] : memref<80x125xi32, #tpu.memory_space<vmem>> -> memref<1x125xi32, #tpu.memory_space<vmem>>
        %dma_wait3A_37 = tpu.memref_squeeze %dma_wait3A_36 : memref<1x125xi32, #tpu.memory_space<vmem>> -> memref<125xi32, #tpu.memory_space<vmem>>
        %dma_wait3A_38 = arith.constant 0 : i32
        %dma_wait3A_39 = arith.constant 0 : i32
        %dma_wait3A_40 = tpu.memref_slice %arg9[%dma_wait3A_38, %dma_wait3A_39] : memref<10000x64xf32, #tpu.memory_space<vmem_shared>> -> memref<10000x64xf32, #tpu.memory_space<vmem_shared>>
        tpu.wait_indirect_dma semaphore(%run_scoped3A : memref<!tpu.dma_semaphore, #tpu.memory_space<semaphore_mem>>) src(%arg8 : memref<125x64xf32, #tpu.memory_space<vmem>>) dst(%dma_wait3A_40 : memref<10000x64xf32, #tpu.memory_space<vmem_shared>>)
        tpu.yield
      }) : () -> ()
    }
    %scan3A_10 = arith.constant 80 : i32
    %barrier3A_11 = arith.constant 0 : index
    tpu.barrier barrier_id(%barrier3A_11)
    %scan3A_12 = arith.constant 0 : i32
    %scan3A_13 = arith.constant 0 : i32
    %scan3A_14 = arith.constant 5 : i32
    %scan3A_15 = arith.addi %scan3A_13, %scan3A_14 : i32
    %scan3A_16 = arith.constant 1 : i32
    scf.for %scan3A_18 = %scan3A_13 to %scan3A_15 step %scan3A_16  : i32 {
      %mul3A = arith.constant 625 : i32
      %mul3A_19 = arith.muli %arg1, %mul3A : i32
      %mul3A_20 = arith.constant 125 : i32
      %mul3A_21 = arith.muli %scan3A_18, %mul3A_20 : i32
      %add3A = arith.addi %mul3A_19, %mul3A_21 : i32
      "tpu.region"() ({
        %run_scoped3A = tpu.sem_alloc : memref<!tpu.dma_semaphore, #tpu.memory_space<semaphore_mem>>
        %dma_start3A = arith.constant 0 : i32
        %dma_start3A_30 = tpu.memref_slice %arg9[%add3A, %dma_start3A] : memref<10000x64xf32, #tpu.memory_space<vmem_shared>> -> memref<125x64xf32, #tpu.memory_space<vmem_shared>>
        %dma_start3A_31 = arith.constant 0 : i32
        %dma_start3A_32 = tpu.memref_slice %arg9[%add3A, %dma_start3A_31] : memref<10000x64xf32, #tpu.memory_space<vmem_shared>> -> memref<125x64xf32, #tpu.memory_space<vmem_shared>>
        tpu.enqueue_dma source(%dma_start3A_32 : memref<125x64xf32, #tpu.memory_space<vmem_shared>>) target(%arg8 : memref<125x64xf32, #tpu.memory_space<vmem>>) target_semaphore(%run_scoped3A : memref<!tpu.dma_semaphore, #tpu.memory_space<semaphore_mem>>)
        %dma_wait3A = arith.constant 0 : i32
        %dma_wait3A_33 = tpu.memref_slice %arg9[%add3A, %dma_wait3A] : memref<10000x64xf32, #tpu.memory_space<vmem_shared>> -> memref<125x64xf32, #tpu.memory_space<vmem_shared>>
        %dma_wait3A_34 = arith.constant 0 : i32
        %dma_wait3A_35 = tpu.memref_slice %arg9[%add3A, %dma_wait3A_34] : memref<10000x64xf32, #tpu.memory_space<vmem_shared>> -> memref<125x64xf32, #tpu.memory_space<vmem_shared>>
        tpu.wait_dma2 semaphore(%run_scoped3A : memref<!tpu.dma_semaphore, #tpu.memory_space<semaphore_mem>>) src(%dma_wait3A_35 : memref<125x64xf32, #tpu.memory_space<vmem_shared>>) dst(%arg8 : memref<125x64xf32, #tpu.memory_space<vmem>>)
        tpu.yield
      }) : () -> ()
      %mul3A_22 = arith.constant 10000 : i32
      %mul3A_23 = arith.muli %arg0, %mul3A_22 : i32
      %mul3A_24 = arith.constant 625 : i32
      %mul3A_25 = arith.muli %arg1, %mul3A_24 : i32
      %add3A_26 = arith.addi %mul3A_23, %mul3A_25 : i32
      %mul3A_27 = arith.constant 125 : i32
      %mul3A_28 = arith.muli %scan3A_18, %mul3A_27 : i32
      %add3A_29 = arith.addi %add3A_26, %mul3A_28 : i32
      "tpu.region"() ({
        %run_scoped3A = tpu.sem_alloc : memref<!tpu.dma_semaphore, #tpu.memory_space<semaphore_mem>>
        %dma_start3A = arith.constant 0 : i32
        %dma_start3A_30 = tpu.memref_slice %arg5[%add3A_29, %dma_start3A] : memref<20000x64xf32, #tpu.memory_space<hbm>> -> memref<125x64xf32, #tpu.memory_space<hbm>>
        %dma_start3A_31 = arith.constant 0 : i32
        %dma_start3A_32 = tpu.memref_slice %arg5[%add3A_29, %dma_start3A_31] : memref<20000x64xf32, #tpu.memory_space<hbm>> -> memref<125x64xf32, #tpu.memory_space<hbm>>
        tpu.enqueue_dma source(%arg8 : memref<125x64xf32, #tpu.memory_space<vmem>>) target(%dma_start3A_32 : memref<125x64xf32, #tpu.memory_space<hbm>>) target_semaphore(%run_scoped3A : memref<!tpu.dma_semaphore, #tpu.memory_space<semaphore_mem>>)
        %dma_wait3A = arith.constant 0 : i32
        %dma_wait3A_33 = tpu.memref_slice %arg5[%add3A_29, %dma_wait3A] : memref<20000x64xf32, #tpu.memory_space<hbm>> -> memref<125x64xf32, #tpu.memory_space<hbm>>
        %dma_wait3A_34 = arith.constant 0 : i32
        %dma_wait3A_35 = tpu.memref_slice %arg5[%add3A_29, %dma_wait3A_34] : memref<20000x64xf32, #tpu.memory_space<hbm>> -> memref<125x64xf32, #tpu.memory_space<hbm>>
        tpu.wait_dma2 semaphore(%run_scoped3A : memref<!tpu.dma_semaphore, #tpu.memory_space<semaphore_mem>>) src(%arg8 : memref<125x64xf32, #tpu.memory_space<vmem>>) dst(%dma_wait3A_35 : memref<125x64xf32, #tpu.memory_space<hbm>>)
        tpu.yield
      }) : () -> ()
    }
    %scan3A_17 = arith.constant 5 : i32
    return
  }
}

#map = affine_map<(d0, d1) -> (0, 0, 0)>
#map1 = affine_map<(d0, d1) -> (0, 0)>
module attributes {stable_mosaic.version = 14 : i64} {
  func.func @_deg_body(%arg0: i32, %arg1: i32, %arg2: memref<32x50x100xi32, #tpu.memory_space<hbm>>, %arg3: memref<625x16xf32, #tpu.memory_space<hbm>>, %arg4: memref<20000x16xf32, #tpu.memory_space<hbm>>, %arg5: memref<50x100xi32, #tpu.memory_space<vmem>>, %arg6: memref<100x16xf32, #tpu.memory_space<vmem>>, %arg7: memref<625x16xf32, #tpu.memory_space<vmem>>, %arg8: memref<10000x16xf32, #tpu.memory_space<vmem_shared>>, %arg9: memref<!tpu.dma_semaphore, #tpu.memory_space<semaphore_mem>>) attributes {dimension_semantics = [#tpu.dimension_semantics<core_parallel>, #tpu.dimension_semantics<subcore_parallel>], iteration_bounds = array<i64: 2, 16>, scalar_prefetch = 0 : i64, scratch_operands = 5 : i64, tpu.core_type = #tpu.core_type<sc_vector_subcore>, window_params = [{transform_indices = #map}, {transform_indices = #map1}, {transform_indices = #map1}]} {
    %mul3A = arith.constant 16 : i32
    %mul3A_0 = arith.muli %arg0, %mul3A : i32
    %add3A = arith.addi %mul3A_0, %arg1 : i32
    "tpu.region"() ({
      %run_scoped3A = tpu.sem_alloc : memref<!tpu.dma_semaphore, #tpu.memory_space<semaphore_mem>>
      %dma_start3A = arith.constant 0 : i32
      %dma_start3A_16 = arith.constant 0 : i32
      %dma_start3A_17 = tpu.memref_slice %arg2[%add3A, %dma_start3A, %dma_start3A_16] : memref<32x50x100xi32, #tpu.memory_space<hbm>> -> memref<1x50x100xi32, #tpu.memory_space<hbm>>
      %dma_start3A_18 = tpu.memref_squeeze %dma_start3A_17 : memref<1x50x100xi32, #tpu.memory_space<hbm>> -> memref<50x100xi32, #tpu.memory_space<hbm>>
      %dma_start3A_19 = arith.constant 0 : i32
      %dma_start3A_20 = arith.constant 0 : i32
      %dma_start3A_21 = tpu.memref_slice %arg2[%add3A, %dma_start3A_19, %dma_start3A_20] : memref<32x50x100xi32, #tpu.memory_space<hbm>> -> memref<1x50x100xi32, #tpu.memory_space<hbm>>
      %dma_start3A_22 = tpu.memref_squeeze %dma_start3A_21 : memref<1x50x100xi32, #tpu.memory_space<hbm>> -> memref<50x100xi32, #tpu.memory_space<hbm>>
      tpu.enqueue_dma source(%dma_start3A_22 : memref<50x100xi32, #tpu.memory_space<hbm>>) target(%arg5 : memref<50x100xi32, #tpu.memory_space<vmem>>) target_semaphore(%run_scoped3A : memref<!tpu.dma_semaphore, #tpu.memory_space<semaphore_mem>>)
      %dma_wait3A = arith.constant 0 : i32
      %dma_wait3A_23 = arith.constant 0 : i32
      %dma_wait3A_24 = tpu.memref_slice %arg2[%add3A, %dma_wait3A, %dma_wait3A_23] : memref<32x50x100xi32, #tpu.memory_space<hbm>> -> memref<1x50x100xi32, #tpu.memory_space<hbm>>
      %dma_wait3A_25 = tpu.memref_squeeze %dma_wait3A_24 : memref<1x50x100xi32, #tpu.memory_space<hbm>> -> memref<50x100xi32, #tpu.memory_space<hbm>>
      %dma_wait3A_26 = arith.constant 0 : i32
      %dma_wait3A_27 = arith.constant 0 : i32
      %dma_wait3A_28 = tpu.memref_slice %arg2[%add3A, %dma_wait3A_26, %dma_wait3A_27] : memref<32x50x100xi32, #tpu.memory_space<hbm>> -> memref<1x50x100xi32, #tpu.memory_space<hbm>>
      %dma_wait3A_29 = tpu.memref_squeeze %dma_wait3A_28 : memref<1x50x100xi32, #tpu.memory_space<hbm>> -> memref<50x100xi32, #tpu.memory_space<hbm>>
      tpu.wait_dma2 semaphore(%run_scoped3A : memref<!tpu.dma_semaphore, #tpu.memory_space<semaphore_mem>>) src(%dma_wait3A_29 : memref<50x100xi32, #tpu.memory_space<hbm>>) dst(%arg5 : memref<50x100xi32, #tpu.memory_space<vmem>>)
      tpu.yield
    }) : () -> ()
    "tpu.region"() ({
      %run_scoped3A = tpu.sem_alloc : memref<!tpu.dma_semaphore, #tpu.memory_space<semaphore_mem>>
      %dma_start3A = arith.constant 0 : i32
      %dma_start3A_16 = arith.constant 0 : i32
      %dma_start3A_17 = tpu.memref_slice %arg3[%dma_start3A, %dma_start3A_16] : memref<625x16xf32, #tpu.memory_space<hbm>> -> memref<100x16xf32, #tpu.memory_space<hbm>>
      %dma_start3A_18 = arith.constant 0 : i32
      %dma_start3A_19 = arith.constant 0 : i32
      %dma_start3A_20 = tpu.memref_slice %arg3[%dma_start3A_18, %dma_start3A_19] : memref<625x16xf32, #tpu.memory_space<hbm>> -> memref<100x16xf32, #tpu.memory_space<hbm>>
      tpu.enqueue_dma source(%dma_start3A_20 : memref<100x16xf32, #tpu.memory_space<hbm>>) target(%arg6 : memref<100x16xf32, #tpu.memory_space<vmem>>) target_semaphore(%run_scoped3A : memref<!tpu.dma_semaphore, #tpu.memory_space<semaphore_mem>>)
      %dma_wait3A = arith.constant 0 : i32
      %dma_wait3A_21 = arith.constant 0 : i32
      %dma_wait3A_22 = tpu.memref_slice %arg3[%dma_wait3A, %dma_wait3A_21] : memref<625x16xf32, #tpu.memory_space<hbm>> -> memref<100x16xf32, #tpu.memory_space<hbm>>
      %dma_wait3A_23 = arith.constant 0 : i32
      %dma_wait3A_24 = arith.constant 0 : i32
      %dma_wait3A_25 = tpu.memref_slice %arg3[%dma_wait3A_23, %dma_wait3A_24] : memref<625x16xf32, #tpu.memory_space<hbm>> -> memref<100x16xf32, #tpu.memory_space<hbm>>
      tpu.wait_dma2 semaphore(%run_scoped3A : memref<!tpu.dma_semaphore, #tpu.memory_space<semaphore_mem>>) src(%dma_wait3A_25 : memref<100x16xf32, #tpu.memory_space<hbm>>) dst(%arg6 : memref<100x16xf32, #tpu.memory_space<vmem>>)
      tpu.yield
    }) : () -> ()
    "tpu.region"() ({
      %run_scoped3A = tpu.sem_alloc : memref<!tpu.dma_semaphore, #tpu.memory_space<semaphore_mem>>
      tpu.enqueue_dma source(%arg3 : memref<625x16xf32, #tpu.memory_space<hbm>>) target(%arg7 : memref<625x16xf32, #tpu.memory_space<vmem>>) target_semaphore(%run_scoped3A : memref<!tpu.dma_semaphore, #tpu.memory_space<semaphore_mem>>)
      tpu.wait_dma2 semaphore(%run_scoped3A : memref<!tpu.dma_semaphore, #tpu.memory_space<semaphore_mem>>) src(%arg3 : memref<625x16xf32, #tpu.memory_space<hbm>>) dst(%arg7 : memref<625x16xf32, #tpu.memory_space<vmem>>)
      tpu.yield
    }) : () -> ()
    %mul3A_1 = arith.constant 625 : i32
    %mul3A_2 = arith.muli %arg1, %mul3A_1 : i32
    "tpu.region"() ({
      %run_scoped3A = tpu.sem_alloc : memref<!tpu.dma_semaphore, #tpu.memory_space<semaphore_mem>>
      %dma_start3A = arith.constant 0 : i32
      %dma_start3A_16 = tpu.memref_slice %arg8[%mul3A_2, %dma_start3A] : memref<10000x16xf32, #tpu.memory_space<vmem_shared>> -> memref<625x16xf32, #tpu.memory_space<vmem_shared>>
      %dma_start3A_17 = arith.constant 0 : i32
      %dma_start3A_18 = tpu.memref_slice %arg8[%mul3A_2, %dma_start3A_17] : memref<10000x16xf32, #tpu.memory_space<vmem_shared>> -> memref<625x16xf32, #tpu.memory_space<vmem_shared>>
      tpu.enqueue_dma source(%arg7 : memref<625x16xf32, #tpu.memory_space<vmem>>) target(%dma_start3A_18 : memref<625x16xf32, #tpu.memory_space<vmem_shared>>) target_semaphore(%run_scoped3A : memref<!tpu.dma_semaphore, #tpu.memory_space<semaphore_mem>>)
      %dma_wait3A = arith.constant 0 : i32
      %dma_wait3A_19 = tpu.memref_slice %arg8[%mul3A_2, %dma_wait3A] : memref<10000x16xf32, #tpu.memory_space<vmem_shared>> -> memref<625x16xf32, #tpu.memory_space<vmem_shared>>
      %dma_wait3A_20 = arith.constant 0 : i32
      %dma_wait3A_21 = tpu.memref_slice %arg8[%mul3A_2, %dma_wait3A_20] : memref<10000x16xf32, #tpu.memory_space<vmem_shared>> -> memref<625x16xf32, #tpu.memory_space<vmem_shared>>
      tpu.wait_dma2 semaphore(%run_scoped3A : memref<!tpu.dma_semaphore, #tpu.memory_space<semaphore_mem>>) src(%arg7 : memref<625x16xf32, #tpu.memory_space<vmem>>) dst(%dma_wait3A_21 : memref<625x16xf32, #tpu.memory_space<vmem_shared>>)
      tpu.yield
    }) : () -> ()
    %barrier3A = arith.constant 0 : index
    tpu.barrier barrier_id(%barrier3A)
    %scan3A = arith.constant 0 : i32
    %scan3A_3 = arith.constant 0 : i32
    %scan3A_4 = arith.constant 50 : i32
    %scan3A_5 = arith.addi %scan3A_3, %scan3A_4 : i32
    %scan3A_6 = arith.constant 1 : i32
    scf.for %scan3A_16 = %scan3A_3 to %scan3A_5 step %scan3A_6  : i32 {
      "tpu.region"() ({
        %run_scoped3A = tpu.sem_alloc : memref<!tpu.dma_semaphore, #tpu.memory_space<semaphore_mem>>
        %dma_start3A = arith.constant 0 : i32
        %dma_start3A_17 = tpu.memref_slice %arg5[%scan3A_16, %dma_start3A] : memref<50x100xi32, #tpu.memory_space<vmem>> -> memref<1x100xi32, #tpu.memory_space<vmem>>
        %dma_start3A_18 = tpu.memref_squeeze %dma_start3A_17 : memref<1x100xi32, #tpu.memory_space<vmem>> -> memref<100xi32, #tpu.memory_space<vmem>>
        %dma_start3A_19 = arith.constant 0 : i32
        %dma_start3A_20 = arith.constant 0 : i32
        %dma_start3A_21 = tpu.memref_slice %arg8[%dma_start3A_19, %dma_start3A_20] : memref<10000x16xf32, #tpu.memory_space<vmem_shared>> -> memref<10000x16xf32, #tpu.memory_space<vmem_shared>>
        tpu.enqueue_indirect_dma source(%arg6 : memref<100x16xf32, #tpu.memory_space<vmem>>) target(%dma_start3A_21 : memref<10000x16xf32, #tpu.memory_space<vmem_shared>>) offsets(%dma_start3A_18 : memref<100xi32, #tpu.memory_space<vmem>>) semaphore(%run_scoped3A : memref<!tpu.dma_semaphore, #tpu.memory_space<semaphore_mem>>) {add = true}
        %dma_wait3A = arith.constant 0 : i32
        %dma_wait3A_22 = tpu.memref_slice %arg5[%scan3A_16, %dma_wait3A] : memref<50x100xi32, #tpu.memory_space<vmem>> -> memref<1x100xi32, #tpu.memory_space<vmem>>
        %dma_wait3A_23 = tpu.memref_squeeze %dma_wait3A_22 : memref<1x100xi32, #tpu.memory_space<vmem>> -> memref<100xi32, #tpu.memory_space<vmem>>
        %dma_wait3A_24 = arith.constant 0 : i32
        %dma_wait3A_25 = arith.constant 0 : i32
        %dma_wait3A_26 = tpu.memref_slice %arg8[%dma_wait3A_24, %dma_wait3A_25] : memref<10000x16xf32, #tpu.memory_space<vmem_shared>> -> memref<10000x16xf32, #tpu.memory_space<vmem_shared>>
        tpu.wait_indirect_dma semaphore(%run_scoped3A : memref<!tpu.dma_semaphore, #tpu.memory_space<semaphore_mem>>) src(%arg6 : memref<100x16xf32, #tpu.memory_space<vmem>>) dst(%dma_wait3A_26 : memref<10000x16xf32, #tpu.memory_space<vmem_shared>>)
        tpu.yield
      }) : () -> ()
    }
    %scan3A_7 = arith.constant 50 : i32
    %barrier3A_8 = arith.constant 0 : index
    tpu.barrier barrier_id(%barrier3A_8)
    %mul3A_9 = arith.constant 625 : i32
    %mul3A_10 = arith.muli %arg1, %mul3A_9 : i32
    "tpu.region"() ({
      %run_scoped3A = tpu.sem_alloc : memref<!tpu.dma_semaphore, #tpu.memory_space<semaphore_mem>>
      %dma_start3A = arith.constant 0 : i32
      %dma_start3A_16 = tpu.memref_slice %arg8[%mul3A_10, %dma_start3A] : memref<10000x16xf32, #tpu.memory_space<vmem_shared>> -> memref<625x16xf32, #tpu.memory_space<vmem_shared>>
      %dma_start3A_17 = arith.constant 0 : i32
      %dma_start3A_18 = tpu.memref_slice %arg8[%mul3A_10, %dma_start3A_17] : memref<10000x16xf32, #tpu.memory_space<vmem_shared>> -> memref<625x16xf32, #tpu.memory_space<vmem_shared>>
      tpu.enqueue_dma source(%dma_start3A_18 : memref<625x16xf32, #tpu.memory_space<vmem_shared>>) target(%arg7 : memref<625x16xf32, #tpu.memory_space<vmem>>) target_semaphore(%run_scoped3A : memref<!tpu.dma_semaphore, #tpu.memory_space<semaphore_mem>>)
      %dma_wait3A = arith.constant 0 : i32
      %dma_wait3A_19 = tpu.memref_slice %arg8[%mul3A_10, %dma_wait3A] : memref<10000x16xf32, #tpu.memory_space<vmem_shared>> -> memref<625x16xf32, #tpu.memory_space<vmem_shared>>
      %dma_wait3A_20 = arith.constant 0 : i32
      %dma_wait3A_21 = tpu.memref_slice %arg8[%mul3A_10, %dma_wait3A_20] : memref<10000x16xf32, #tpu.memory_space<vmem_shared>> -> memref<625x16xf32, #tpu.memory_space<vmem_shared>>
      tpu.wait_dma2 semaphore(%run_scoped3A : memref<!tpu.dma_semaphore, #tpu.memory_space<semaphore_mem>>) src(%dma_wait3A_21 : memref<625x16xf32, #tpu.memory_space<vmem_shared>>) dst(%arg7 : memref<625x16xf32, #tpu.memory_space<vmem>>)
      tpu.yield
    }) : () -> ()
    %mul3A_11 = arith.constant 10000 : i32
    %mul3A_12 = arith.muli %arg0, %mul3A_11 : i32
    %mul3A_13 = arith.constant 625 : i32
    %mul3A_14 = arith.muli %arg1, %mul3A_13 : i32
    %add3A_15 = arith.addi %mul3A_12, %mul3A_14 : i32
    "tpu.region"() ({
      %run_scoped3A = tpu.sem_alloc : memref<!tpu.dma_semaphore, #tpu.memory_space<semaphore_mem>>
      %dma_start3A = arith.constant 0 : i32
      %dma_start3A_16 = tpu.memref_slice %arg4[%add3A_15, %dma_start3A] : memref<20000x16xf32, #tpu.memory_space<hbm>> -> memref<625x16xf32, #tpu.memory_space<hbm>>
      %dma_start3A_17 = arith.constant 0 : i32
      %dma_start3A_18 = tpu.memref_slice %arg4[%add3A_15, %dma_start3A_17] : memref<20000x16xf32, #tpu.memory_space<hbm>> -> memref<625x16xf32, #tpu.memory_space<hbm>>
      tpu.enqueue_dma source(%arg7 : memref<625x16xf32, #tpu.memory_space<vmem>>) target(%dma_start3A_18 : memref<625x16xf32, #tpu.memory_space<hbm>>) target_semaphore(%run_scoped3A : memref<!tpu.dma_semaphore, #tpu.memory_space<semaphore_mem>>)
      %dma_wait3A = arith.constant 0 : i32
      %dma_wait3A_19 = tpu.memref_slice %arg4[%add3A_15, %dma_wait3A] : memref<20000x16xf32, #tpu.memory_space<hbm>> -> memref<625x16xf32, #tpu.memory_space<hbm>>
      %dma_wait3A_20 = arith.constant 0 : i32
      %dma_wait3A_21 = tpu.memref_slice %arg4[%add3A_15, %dma_wait3A_20] : memref<20000x16xf32, #tpu.memory_space<hbm>> -> memref<625x16xf32, #tpu.memory_space<hbm>>
      tpu.wait_dma2 semaphore(%run_scoped3A : memref<!tpu.dma_semaphore, #tpu.memory_space<semaphore_mem>>) src(%arg7 : memref<625x16xf32, #tpu.memory_space<vmem>>) dst(%dma_wait3A_21 : memref<625x16xf32, #tpu.memory_space<hbm>>)
      tpu.yield
    }) : () -> ()
    return
  }
}

#map = affine_map<(d0, d1) -> (0, 0)>
#map1 = affine_map<(d0, d1) -> (0, 0, 0, 0)>
#map2 = affine_map<(d0, d1) -> (0, 0, 0)>
module attributes {stable_mosaic.version = 14 : i64} {
  func.func @prop(%arg0: i32, %arg1: i32, %arg2: memref<20000x128xf32, #tpu.memory_space<hbm>>, %arg3: memref<2x16x80x125xi32, #tpu.memory_space<hbm>>, %arg4: memref<16x80x125xi32, #tpu.memory_space<hbm>>, %arg5: memref<20000x128xf32, #tpu.memory_space<hbm>>, %arg6: memref<80x125xi32, #tpu.memory_space<vmem>>, %arg7: memref<80x125xi32, #tpu.memory_space<vmem>>, %arg8: memref<125x128xf32, #tpu.memory_space<vmem>>, %arg9: memref<10000x128xf32, #tpu.memory_space<vmem_shared>>, %arg10: memref<!tpu.dma_semaphore, #tpu.memory_space<semaphore_mem>>) attributes {dimension_semantics = [#tpu.dimension_semantics<core_parallel>, #tpu.dimension_semantics<subcore_parallel>], iteration_bounds = array<i64: 2, 16>, scalar_prefetch = 0 : i64, scratch_operands = 5 : i64, tpu.core_type = #tpu.core_type<sc_vector_subcore>, window_params = [{transform_indices = #map}, {transform_indices = #map1}, {transform_indices = #map2}, {transform_indices = #map}]} {
    "tpu.region"() ({
      %run_scoped3A = tpu.sem_alloc : memref<!tpu.dma_semaphore, #tpu.memory_space<semaphore_mem>>
      %dma_start3A = arith.constant 0 : i32
      %dma_start3A_18 = arith.constant 0 : i32
      %dma_start3A_19 = tpu.memref_slice %arg3[%arg0, %arg1, %dma_start3A, %dma_start3A_18] : memref<2x16x80x125xi32, #tpu.memory_space<hbm>> -> memref<1x1x80x125xi32, #tpu.memory_space<hbm>>
      %dma_start3A_20 = tpu.memref_squeeze %dma_start3A_19 : memref<1x1x80x125xi32, #tpu.memory_space<hbm>> -> memref<80x125xi32, #tpu.memory_space<hbm>>
      %dma_start3A_21 = arith.constant 0 : i32
      %dma_start3A_22 = arith.constant 0 : i32
      %dma_start3A_23 = tpu.memref_slice %arg3[%arg0, %arg1, %dma_start3A_21, %dma_start3A_22] : memref<2x16x80x125xi32, #tpu.memory_space<hbm>> -> memref<1x1x80x125xi32, #tpu.memory_space<hbm>>
      %dma_start3A_24 = tpu.memref_squeeze %dma_start3A_23 : memref<1x1x80x125xi32, #tpu.memory_space<hbm>> -> memref<80x125xi32, #tpu.memory_space<hbm>>
      tpu.enqueue_dma source(%dma_start3A_24 : memref<80x125xi32, #tpu.memory_space<hbm>>) target(%arg6 : memref<80x125xi32, #tpu.memory_space<vmem>>) target_semaphore(%run_scoped3A : memref<!tpu.dma_semaphore, #tpu.memory_space<semaphore_mem>>)
      %dma_wait3A = arith.constant 0 : i32
      %dma_wait3A_25 = arith.constant 0 : i32
      %dma_wait3A_26 = tpu.memref_slice %arg3[%arg0, %arg1, %dma_wait3A, %dma_wait3A_25] : memref<2x16x80x125xi32, #tpu.memory_space<hbm>> -> memref<1x1x80x125xi32, #tpu.memory_space<hbm>>
      %dma_wait3A_27 = tpu.memref_squeeze %dma_wait3A_26 : memref<1x1x80x125xi32, #tpu.memory_space<hbm>> -> memref<80x125xi32, #tpu.memory_space<hbm>>
      %dma_wait3A_28 = arith.constant 0 : i32
      %dma_wait3A_29 = arith.constant 0 : i32
      %dma_wait3A_30 = tpu.memref_slice %arg3[%arg0, %arg1, %dma_wait3A_28, %dma_wait3A_29] : memref<2x16x80x125xi32, #tpu.memory_space<hbm>> -> memref<1x1x80x125xi32, #tpu.memory_space<hbm>>
      %dma_wait3A_31 = tpu.memref_squeeze %dma_wait3A_30 : memref<1x1x80x125xi32, #tpu.memory_space<hbm>> -> memref<80x125xi32, #tpu.memory_space<hbm>>
      tpu.wait_dma2 semaphore(%run_scoped3A : memref<!tpu.dma_semaphore, #tpu.memory_space<semaphore_mem>>) src(%dma_wait3A_31 : memref<80x125xi32, #tpu.memory_space<hbm>>) dst(%arg6 : memref<80x125xi32, #tpu.memory_space<vmem>>)
      tpu.yield
    }) : () -> ()
    "tpu.region"() ({
      %run_scoped3A = tpu.sem_alloc : memref<!tpu.dma_semaphore, #tpu.memory_space<semaphore_mem>>
      %dma_start3A = arith.constant 0 : i32
      %dma_start3A_18 = arith.constant 0 : i32
      %dma_start3A_19 = tpu.memref_slice %arg4[%arg1, %dma_start3A, %dma_start3A_18] : memref<16x80x125xi32, #tpu.memory_space<hbm>> -> memref<1x80x125xi32, #tpu.memory_space<hbm>>
      %dma_start3A_20 = tpu.memref_squeeze %dma_start3A_19 : memref<1x80x125xi32, #tpu.memory_space<hbm>> -> memref<80x125xi32, #tpu.memory_space<hbm>>
      %dma_start3A_21 = arith.constant 0 : i32
      %dma_start3A_22 = arith.constant 0 : i32
      %dma_start3A_23 = tpu.memref_slice %arg4[%arg1, %dma_start3A_21, %dma_start3A_22] : memref<16x80x125xi32, #tpu.memory_space<hbm>> -> memref<1x80x125xi32, #tpu.memory_space<hbm>>
      %dma_start3A_24 = tpu.memref_squeeze %dma_start3A_23 : memref<1x80x125xi32, #tpu.memory_space<hbm>> -> memref<80x125xi32, #tpu.memory_space<hbm>>
      tpu.enqueue_dma source(%dma_start3A_24 : memref<80x125xi32, #tpu.memory_space<hbm>>) target(%arg7 : memref<80x125xi32, #tpu.memory_space<vmem>>) target_semaphore(%run_scoped3A : memref<!tpu.dma_semaphore, #tpu.memory_space<semaphore_mem>>)
      %dma_wait3A = arith.constant 0 : i32
      %dma_wait3A_25 = arith.constant 0 : i32
      %dma_wait3A_26 = tpu.memref_slice %arg4[%arg1, %dma_wait3A, %dma_wait3A_25] : memref<16x80x125xi32, #tpu.memory_space<hbm>> -> memref<1x80x125xi32, #tpu.memory_space<hbm>>
      %dma_wait3A_27 = tpu.memref_squeeze %dma_wait3A_26 : memref<1x80x125xi32, #tpu.memory_space<hbm>> -> memref<80x125xi32, #tpu.memory_space<hbm>>
      %dma_wait3A_28 = arith.constant 0 : i32
      %dma_wait3A_29 = arith.constant 0 : i32
      %dma_wait3A_30 = tpu.memref_slice %arg4[%arg1, %dma_wait3A_28, %dma_wait3A_29] : memref<16x80x125xi32, #tpu.memory_space<hbm>> -> memref<1x80x125xi32, #tpu.memory_space<hbm>>
      %dma_wait3A_31 = tpu.memref_squeeze %dma_wait3A_30 : memref<1x80x125xi32, #tpu.memory_space<hbm>> -> memref<80x125xi32, #tpu.memory_space<hbm>>
      tpu.wait_dma2 semaphore(%run_scoped3A : memref<!tpu.dma_semaphore, #tpu.memory_space<semaphore_mem>>) src(%dma_wait3A_31 : memref<80x125xi32, #tpu.memory_space<hbm>>) dst(%arg7 : memref<80x125xi32, #tpu.memory_space<vmem>>)
      tpu.yield
    }) : () -> ()
    %scan3A = arith.constant 0 : i32
    %scan3A_0 = arith.constant 0 : i32
    %scan3A_1 = arith.constant 5 : i32
    %scan3A_2 = arith.addi %scan3A_0, %scan3A_1 : i32
    %scan3A_3 = arith.constant 1 : i32
    scf.for %scan3A_18 = %scan3A_0 to %scan3A_2 step %scan3A_3  : i32 {
      %mul3A = arith.constant 10000 : i32
      %mul3A_19 = arith.muli %arg0, %mul3A : i32
      %mul3A_20 = arith.constant 625 : i32
      %mul3A_21 = arith.muli %arg1, %mul3A_20 : i32
      %add3A = arith.addi %mul3A_19, %mul3A_21 : i32
      %mul3A_22 = arith.constant 125 : i32
      %mul3A_23 = arith.muli %scan3A_18, %mul3A_22 : i32
      %add3A_24 = arith.addi %add3A, %mul3A_23 : i32
      "tpu.region"() ({
        %run_scoped3A = tpu.sem_alloc : memref<!tpu.dma_semaphore, #tpu.memory_space<semaphore_mem>>
        %dma_start3A = arith.constant 0 : i32
        %dma_start3A_30 = tpu.memref_slice %arg2[%add3A_24, %dma_start3A] : memref<20000x128xf32, #tpu.memory_space<hbm>> -> memref<125x128xf32, #tpu.memory_space<hbm>>
        %dma_start3A_31 = arith.constant 0 : i32
        %dma_start3A_32 = tpu.memref_slice %arg2[%add3A_24, %dma_start3A_31] : memref<20000x128xf32, #tpu.memory_space<hbm>> -> memref<125x128xf32, #tpu.memory_space<hbm>>
        tpu.enqueue_dma source(%dma_start3A_32 : memref<125x128xf32, #tpu.memory_space<hbm>>) target(%arg8 : memref<125x128xf32, #tpu.memory_space<vmem>>) target_semaphore(%run_scoped3A : memref<!tpu.dma_semaphore, #tpu.memory_space<semaphore_mem>>)
        %dma_wait3A = arith.constant 0 : i32
        %dma_wait3A_33 = tpu.memref_slice %arg2[%add3A_24, %dma_wait3A] : memref<20000x128xf32, #tpu.memory_space<hbm>> -> memref<125x128xf32, #tpu.memory_space<hbm>>
        %dma_wait3A_34 = arith.constant 0 : i32
        %dma_wait3A_35 = tpu.memref_slice %arg2[%add3A_24, %dma_wait3A_34] : memref<20000x128xf32, #tpu.memory_space<hbm>> -> memref<125x128xf32, #tpu.memory_space<hbm>>
        tpu.wait_dma2 semaphore(%run_scoped3A : memref<!tpu.dma_semaphore, #tpu.memory_space<semaphore_mem>>) src(%dma_wait3A_35 : memref<125x128xf32, #tpu.memory_space<hbm>>) dst(%arg8 : memref<125x128xf32, #tpu.memory_space<vmem>>)
        tpu.yield
      }) : () -> ()
      %mul3A_25 = arith.constant 625 : i32
      %mul3A_26 = arith.muli %arg1, %mul3A_25 : i32
      %mul3A_27 = arith.constant 125 : i32
      %mul3A_28 = arith.muli %scan3A_18, %mul3A_27 : i32
      %add3A_29 = arith.addi %mul3A_26, %mul3A_28 : i32
      "tpu.region"() ({
        %run_scoped3A = tpu.sem_alloc : memref<!tpu.dma_semaphore, #tpu.memory_space<semaphore_mem>>
        %dma_start3A = arith.constant 0 : i32
        %dma_start3A_30 = tpu.memref_slice %arg9[%add3A_29, %dma_start3A] : memref<10000x128xf32, #tpu.memory_space<vmem_shared>> -> memref<125x128xf32, #tpu.memory_space<vmem_shared>>
        %dma_start3A_31 = arith.constant 0 : i32
        %dma_start3A_32 = tpu.memref_slice %arg9[%add3A_29, %dma_start3A_31] : memref<10000x128xf32, #tpu.memory_space<vmem_shared>> -> memref<125x128xf32, #tpu.memory_space<vmem_shared>>
        tpu.enqueue_dma source(%arg8 : memref<125x128xf32, #tpu.memory_space<vmem>>) target(%dma_start3A_32 : memref<125x128xf32, #tpu.memory_space<vmem_shared>>) target_semaphore(%run_scoped3A : memref<!tpu.dma_semaphore, #tpu.memory_space<semaphore_mem>>)
        %dma_wait3A = arith.constant 0 : i32
        %dma_wait3A_33 = tpu.memref_slice %arg9[%add3A_29, %dma_wait3A] : memref<10000x128xf32, #tpu.memory_space<vmem_shared>> -> memref<125x128xf32, #tpu.memory_space<vmem_shared>>
        %dma_wait3A_34 = arith.constant 0 : i32
        %dma_wait3A_35 = tpu.memref_slice %arg9[%add3A_29, %dma_wait3A_34] : memref<10000x128xf32, #tpu.memory_space<vmem_shared>> -> memref<125x128xf32, #tpu.memory_space<vmem_shared>>
        tpu.wait_dma2 semaphore(%run_scoped3A : memref<!tpu.dma_semaphore, #tpu.memory_space<semaphore_mem>>) src(%arg8 : memref<125x128xf32, #tpu.memory_space<vmem>>) dst(%dma_wait3A_35 : memref<125x128xf32, #tpu.memory_space<vmem_shared>>)
        tpu.yield
      }) : () -> ()
    }
    %scan3A_4 = arith.constant 5 : i32
    %barrier3A = arith.constant 0 : index
    tpu.barrier barrier_id(%barrier3A)
    %scan3A_5 = arith.constant 0 : i32
    %scan3A_6 = arith.constant 0 : i32
    %scan3A_7 = arith.constant 80 : i32
    %scan3A_8 = arith.addi %scan3A_6, %scan3A_7 : i32
    %scan3A_9 = arith.constant 1 : i32
    scf.for %scan3A_18 = %scan3A_6 to %scan3A_8 step %scan3A_9  : i32 {
      %dma_start3A = arith.constant 0 : i32
      %dma_start3A_19 = tpu.memref_slice %arg6[%scan3A_18, %dma_start3A] : memref<80x125xi32, #tpu.memory_space<vmem>> -> memref<1x125xi32, #tpu.memory_space<vmem>>
      %dma_start3A_20 = tpu.memref_squeeze %dma_start3A_19 : memref<1x125xi32, #tpu.memory_space<vmem>> -> memref<125xi32, #tpu.memory_space<vmem>>
      %dma_start3A_21 = arith.constant 0 : i32
      %dma_start3A_22 = arith.constant 0 : i32
      %dma_start3A_23 = tpu.memref_slice %arg2[%dma_start3A_21, %dma_start3A_22] : memref<20000x128xf32, #tpu.memory_space<hbm>> -> memref<20000x128xf32, #tpu.memory_space<hbm>>
      tpu.enqueue_indirect_dma source(%dma_start3A_23 : memref<20000x128xf32, #tpu.memory_space<hbm>>) target(%arg8 : memref<125x128xf32, #tpu.memory_space<vmem>>) offsets(%dma_start3A_20 : memref<125xi32, #tpu.memory_space<vmem>>) semaphore(%arg10 : memref<!tpu.dma_semaphore, #tpu.memory_space<semaphore_mem>>)
      %dma_wait3A = arith.constant 0 : i32
      %dma_wait3A_24 = tpu.memref_slice %arg6[%scan3A_18, %dma_wait3A] : memref<80x125xi32, #tpu.memory_space<vmem>> -> memref<1x125xi32, #tpu.memory_space<vmem>>
      %dma_wait3A_25 = tpu.memref_squeeze %dma_wait3A_24 : memref<1x125xi32, #tpu.memory_space<vmem>> -> memref<125xi32, #tpu.memory_space<vmem>>
      %dma_wait3A_26 = arith.constant 0 : i32
      %dma_wait3A_27 = arith.constant 0 : i32
      %dma_wait3A_28 = tpu.memref_slice %arg2[%dma_wait3A_26, %dma_wait3A_27] : memref<20000x128xf32, #tpu.memory_space<hbm>> -> memref<20000x128xf32, #tpu.memory_space<hbm>>
      tpu.wait_indirect_dma semaphore(%arg10 : memref<!tpu.dma_semaphore, #tpu.memory_space<semaphore_mem>>) src(%dma_wait3A_28 : memref<20000x128xf32, #tpu.memory_space<hbm>>) dst(%arg8 : memref<125x128xf32, #tpu.memory_space<vmem>>)
      "tpu.region"() ({
        %run_scoped3A = tpu.sem_alloc : memref<!tpu.dma_semaphore, #tpu.memory_space<semaphore_mem>>
        %dma_start3A_29 = arith.constant 0 : i32
        %dma_start3A_30 = tpu.memref_slice %arg7[%scan3A_18, %dma_start3A_29] : memref<80x125xi32, #tpu.memory_space<vmem>> -> memref<1x125xi32, #tpu.memory_space<vmem>>
        %dma_start3A_31 = tpu.memref_squeeze %dma_start3A_30 : memref<1x125xi32, #tpu.memory_space<vmem>> -> memref<125xi32, #tpu.memory_space<vmem>>
        %dma_start3A_32 = arith.constant 0 : i32
        %dma_start3A_33 = arith.constant 0 : i32
        %dma_start3A_34 = tpu.memref_slice %arg9[%dma_start3A_32, %dma_start3A_33] : memref<10000x128xf32, #tpu.memory_space<vmem_shared>> -> memref<10000x128xf32, #tpu.memory_space<vmem_shared>>
        tpu.enqueue_indirect_dma source(%arg8 : memref<125x128xf32, #tpu.memory_space<vmem>>) target(%dma_start3A_34 : memref<10000x128xf32, #tpu.memory_space<vmem_shared>>) offsets(%dma_start3A_31 : memref<125xi32, #tpu.memory_space<vmem>>) semaphore(%run_scoped3A : memref<!tpu.dma_semaphore, #tpu.memory_space<semaphore_mem>>) {add = true}
        %dma_wait3A_35 = arith.constant 0 : i32
        %dma_wait3A_36 = tpu.memref_slice %arg7[%scan3A_18, %dma_wait3A_35] : memref<80x125xi32, #tpu.memory_space<vmem>> -> memref<1x125xi32, #tpu.memory_space<vmem>>
        %dma_wait3A_37 = tpu.memref_squeeze %dma_wait3A_36 : memref<1x125xi32, #tpu.memory_space<vmem>> -> memref<125xi32, #tpu.memory_space<vmem>>
        %dma_wait3A_38 = arith.constant 0 : i32
        %dma_wait3A_39 = arith.constant 0 : i32
        %dma_wait3A_40 = tpu.memref_slice %arg9[%dma_wait3A_38, %dma_wait3A_39] : memref<10000x128xf32, #tpu.memory_space<vmem_shared>> -> memref<10000x128xf32, #tpu.memory_space<vmem_shared>>
        tpu.wait_indirect_dma semaphore(%run_scoped3A : memref<!tpu.dma_semaphore, #tpu.memory_space<semaphore_mem>>) src(%arg8 : memref<125x128xf32, #tpu.memory_space<vmem>>) dst(%dma_wait3A_40 : memref<10000x128xf32, #tpu.memory_space<vmem_shared>>)
        tpu.yield
      }) : () -> ()
    }
    %scan3A_10 = arith.constant 80 : i32
    %barrier3A_11 = arith.constant 0 : index
    tpu.barrier barrier_id(%barrier3A_11)
    %scan3A_12 = arith.constant 0 : i32
    %scan3A_13 = arith.constant 0 : i32
    %scan3A_14 = arith.constant 5 : i32
    %scan3A_15 = arith.addi %scan3A_13, %scan3A_14 : i32
    %scan3A_16 = arith.constant 1 : i32
    scf.for %scan3A_18 = %scan3A_13 to %scan3A_15 step %scan3A_16  : i32 {
      %mul3A = arith.constant 625 : i32
      %mul3A_19 = arith.muli %arg1, %mul3A : i32
      %mul3A_20 = arith.constant 125 : i32
      %mul3A_21 = arith.muli %scan3A_18, %mul3A_20 : i32
      %add3A = arith.addi %mul3A_19, %mul3A_21 : i32
      "tpu.region"() ({
        %run_scoped3A = tpu.sem_alloc : memref<!tpu.dma_semaphore, #tpu.memory_space<semaphore_mem>>
        %dma_start3A = arith.constant 0 : i32
        %dma_start3A_30 = tpu.memref_slice %arg9[%add3A, %dma_start3A] : memref<10000x128xf32, #tpu.memory_space<vmem_shared>> -> memref<125x128xf32, #tpu.memory_space<vmem_shared>>
        %dma_start3A_31 = arith.constant 0 : i32
        %dma_start3A_32 = tpu.memref_slice %arg9[%add3A, %dma_start3A_31] : memref<10000x128xf32, #tpu.memory_space<vmem_shared>> -> memref<125x128xf32, #tpu.memory_space<vmem_shared>>
        tpu.enqueue_dma source(%dma_start3A_32 : memref<125x128xf32, #tpu.memory_space<vmem_shared>>) target(%arg8 : memref<125x128xf32, #tpu.memory_space<vmem>>) target_semaphore(%run_scoped3A : memref<!tpu.dma_semaphore, #tpu.memory_space<semaphore_mem>>)
        %dma_wait3A = arith.constant 0 : i32
        %dma_wait3A_33 = tpu.memref_slice %arg9[%add3A, %dma_wait3A] : memref<10000x128xf32, #tpu.memory_space<vmem_shared>> -> memref<125x128xf32, #tpu.memory_space<vmem_shared>>
        %dma_wait3A_34 = arith.constant 0 : i32
        %dma_wait3A_35 = tpu.memref_slice %arg9[%add3A, %dma_wait3A_34] : memref<10000x128xf32, #tpu.memory_space<vmem_shared>> -> memref<125x128xf32, #tpu.memory_space<vmem_shared>>
        tpu.wait_dma2 semaphore(%run_scoped3A : memref<!tpu.dma_semaphore, #tpu.memory_space<semaphore_mem>>) src(%dma_wait3A_35 : memref<125x128xf32, #tpu.memory_space<vmem_shared>>) dst(%arg8 : memref<125x128xf32, #tpu.memory_space<vmem>>)
        tpu.yield
      }) : () -> ()
      %mul3A_22 = arith.constant 10000 : i32
      %mul3A_23 = arith.muli %arg0, %mul3A_22 : i32
      %mul3A_24 = arith.constant 625 : i32
      %mul3A_25 = arith.muli %arg1, %mul3A_24 : i32
      %add3A_26 = arith.addi %mul3A_23, %mul3A_25 : i32
      %mul3A_27 = arith.constant 125 : i32
      %mul3A_28 = arith.muli %scan3A_18, %mul3A_27 : i32
      %add3A_29 = arith.addi %add3A_26, %mul3A_28 : i32
      "tpu.region"() ({
        %run_scoped3A = tpu.sem_alloc : memref<!tpu.dma_semaphore, #tpu.memory_space<semaphore_mem>>
        %dma_start3A = arith.constant 0 : i32
        %dma_start3A_30 = tpu.memref_slice %arg5[%add3A_29, %dma_start3A] : memref<20000x128xf32, #tpu.memory_space<hbm>> -> memref<125x128xf32, #tpu.memory_space<hbm>>
        %dma_start3A_31 = arith.constant 0 : i32
        %dma_start3A_32 = tpu.memref_slice %arg5[%add3A_29, %dma_start3A_31] : memref<20000x128xf32, #tpu.memory_space<hbm>> -> memref<125x128xf32, #tpu.memory_space<hbm>>
        tpu.enqueue_dma source(%arg8 : memref<125x128xf32, #tpu.memory_space<vmem>>) target(%dma_start3A_32 : memref<125x128xf32, #tpu.memory_space<hbm>>) target_semaphore(%run_scoped3A : memref<!tpu.dma_semaphore, #tpu.memory_space<semaphore_mem>>)
        %dma_wait3A = arith.constant 0 : i32
        %dma_wait3A_33 = tpu.memref_slice %arg5[%add3A_29, %dma_wait3A] : memref<20000x128xf32, #tpu.memory_space<hbm>> -> memref<125x128xf32, #tpu.memory_space<hbm>>
        %dma_wait3A_34 = arith.constant 0 : i32
        %dma_wait3A_35 = tpu.memref_slice %arg5[%add3A_29, %dma_wait3A_34] : memref<20000x128xf32, #tpu.memory_space<hbm>> -> memref<125x128xf32, #tpu.memory_space<hbm>>
        tpu.wait_dma2 semaphore(%run_scoped3A : memref<!tpu.dma_semaphore, #tpu.memory_space<semaphore_mem>>) src(%arg8 : memref<125x128xf32, #tpu.memory_space<vmem>>) dst(%dma_wait3A_35 : memref<125x128xf32, #tpu.memory_space<hbm>>)
        tpu.yield
      }) : () -> ()
    }
    %scan3A_17 = arith.constant 5 : i32
    return
  }
}

module attributes {stable_mosaic.version = 14 : i64} {
  func.func @_tc1_body(%arg0: i32, %arg1: memref<1000x256xf32, #tpu.memory_space<vmem>>, %arg2: memref<256x256xf32, #tpu.memory_space<vmem>>, %arg3: memref<1x256xf32, #tpu.memory_space<vmem>>, %arg4: memref<2x1000x16xf32, #tpu.memory_space<vmem>>, %arg5: memref<2x1000x128xf32, #tpu.memory_space<vmem>>, %arg6: memref<1000x1xf32, #tpu.memory_space<vmem>>) attributes {dimension_semantics = [#tpu.dimension_semantics<arbitrary>], iteration_bounds = array<i64: 10>, scalar_prefetch = 0 : i64, scratch_operands = 0 : i64, tpu.core_type = #tpu.core_type<tc>, window_params = [{transform_indices = @transform_0, window_bounds = array<i64: 1000, 256>}, {pipeline_mode = #tpu.pipeline_mode<synchronous>, transform_indices = @transform_1, window_bounds = array<i64: 256, 256>}, {pipeline_mode = #tpu.pipeline_mode<synchronous>, transform_indices = @transform_2, window_bounds = array<i64: 1, 256>}, {transform_indices = @transform_3, window_bounds = array<i64: 2, 1000, 16>}, {transform_indices = @transform_4, window_bounds = array<i64: 2, 1000, 128>}, {transform_indices = @transform_5, window_bounds = array<i64: 1000, 1>}]} {
    %get3A = arith.constant 0 : index
    %get3A_0 = arith.constant 0 : index
    %get3A_1 = arith.constant 0 : index
    %get3A_2 = vector.load %arg4[%get3A, %get3A_0, %get3A_1] : memref<2x1000x16xf32, #tpu.memory_space<vmem>>, vector<1x1000x16xf32>
    %get3A_3 = vector.shape_cast %get3A_2 : vector<1x1000x16xf32> to vector<1000x16xf32>
    %slice3A = vector.extract_strided_slice %get3A_3 {offsets = [0, 0], sizes = [1000, 1], strides = [1, 1]} : vector<1000x16xf32> to vector<1000x1xf32>
    %get3A_4 = arith.constant 1 : index
    %get3A_5 = arith.constant 0 : index
    %get3A_6 = arith.constant 0 : index
    %get3A_7 = vector.load %arg4[%get3A_4, %get3A_5, %get3A_6] : memref<2x1000x16xf32, #tpu.memory_space<vmem>>, vector<1x1000x16xf32>
    %get3A_8 = vector.shape_cast %get3A_7 : vector<1x1000x16xf32> to vector<1000x16xf32>
    %slice3A_9 = vector.extract_strided_slice %get3A_8 {offsets = [0, 0], sizes = [1000, 1], strides = [1, 1]} : vector<1000x16xf32> to vector<1000x1xf32>
    %add3A = arith.addf %slice3A, %slice3A_9 : vector<1000x1xf32>
    %sub3A = arith.constant 1.000000e+00 : f32
    %sub3A_10 = vector.broadcast %sub3A : f32 to vector<1000x1xf32>
    %sub3A_11 = arith.subf %add3A, %sub3A_10 : vector<1000x1xf32>
    %rsqrt3A = math.rsqrt %sub3A_11 : vector<1000x1xf32>
    %get3A_12 = arith.constant 0 : index
    %get3A_13 = arith.constant 0 : index
    %get3A_14 = vector.load %arg1[%get3A_12, %get3A_13] : memref<1000x256xf32, #tpu.memory_space<vmem>>, vector<1000x256xf32>
    %get3A_15 = arith.constant 0 : index
    %get3A_16 = arith.constant 0 : index
    %get3A_17 = vector.load %arg2[%get3A_15, %get3A_16] : memref<256x256xf32, #tpu.memory_space<vmem>>, vector<256x256xf32>
    %dot_general3A = arith.constant dense<0.000000e+00> : vector<1000x256xf32>
    %dot_general3A_18 = tpu.matmul %get3A_14, %get3A_17, %dot_general3A {dimension_numbers = #tpu.dot_dimension_numbers<[1], [0], [0], [1], [0, 0, 1, 1], [], []>, transpose_lhs_hint = false} : vector<1000x256xf32>, vector<256x256xf32>, vector<1000x256xf32> -> vector<1000x256xf32>
    %get3A_19 = arith.constant 0 : index
    %get3A_20 = arith.constant 0 : index
    %get3A_21 = vector.load %arg3[%get3A_19, %get3A_20] : memref<1x256xf32, #tpu.memory_space<vmem>>, vector<1x256xf32>
    %add3A_22 = vector.broadcast %get3A_21 : vector<1x256xf32> to vector<1000x256xf32>
    %add3A_23 = arith.addf %dot_general3A_18, %add3A_22 : vector<1000x256xf32>
    %mul3A = vector.broadcast %rsqrt3A : vector<1000x1xf32> to vector<1000x256xf32>
    %mul3A_24 = arith.mulf %add3A_23, %mul3A : vector<1000x256xf32>
    %slice3A_25 = vector.extract_strided_slice %mul3A_24 {offsets = [0, 0], sizes = [1000, 128], strides = [1, 1]} : vector<1000x256xf32> to vector<1000x128xf32>
    %swap3A = arith.constant 0 : index
    %swap3A_26 = arith.constant 0 : index
    %swap3A_27 = arith.constant 0 : index
    %swap3A_28 = vector.load %arg5[%swap3A, %swap3A_26, %swap3A_27] : memref<2x1000x128xf32, #tpu.memory_space<vmem>>, vector<1x1000x128xf32>
    %swap3A_29 = vector.shape_cast %swap3A_28 : vector<1x1000x128xf32> to vector<1000x128xf32>
    %swap3A_30 = vector.shape_cast %slice3A_25 : vector<1000x128xf32> to vector<1x1000x128xf32>
    tpu.vector_store %arg5[%swap3A, %swap3A_26, %swap3A_27], %swap3A_30 {strides = array<i32>} : memref<2x1000x128xf32, #tpu.memory_space<vmem>>, vector<1x1000x128xf32>,
    %slice3A_31 = vector.extract_strided_slice %mul3A_24 {offsets = [0, 128], sizes = [1000, 128], strides = [1, 1]} : vector<1000x256xf32> to vector<1000x128xf32>
    %swap3A_32 = arith.constant 1 : index
    %swap3A_33 = arith.constant 0 : index
    %swap3A_34 = arith.constant 0 : index
    %swap3A_35 = vector.load %arg5[%swap3A_32, %swap3A_33, %swap3A_34] : memref<2x1000x128xf32, #tpu.memory_space<vmem>>, vector<1x1000x128xf32>
    %swap3A_36 = vector.shape_cast %swap3A_35 : vector<1x1000x128xf32> to vector<1000x128xf32>
    %swap3A_37 = vector.shape_cast %slice3A_31 : vector<1000x128xf32> to vector<1x1000x128xf32>
    tpu.vector_store %arg5[%swap3A_32, %swap3A_33, %swap3A_34], %swap3A_37 {strides = array<i32>} : memref<2x1000x128xf32, #tpu.memory_space<vmem>>, vector<1x1000x128xf32>,
    %swap3A_38 = arith.constant 0 : index
    %swap3A_39 = arith.constant 0 : index
    %swap3A_40 = vector.load %arg6[%swap3A_38, %swap3A_39] : memref<1000x1xf32, #tpu.memory_space<vmem>>, vector<1000x1xf32>
    tpu.vector_store %arg6[%swap3A_38, %swap3A_39], %rsqrt3A {strides = array<i32>} : memref<1000x1xf32, #tpu.memory_space<vmem>>, vector<1000x1xf32>,
    return
  }
  func.func @transform_0(%arg0: i32) -> (i32, i32) {
    %c0_i32 = arith.constant 0 : i32
    %c0_i32_0 = arith.constant 0 : i32
    return %arg0, %c0_i32 : i32, i32
  }
  func.func @transform_1(%arg0: i32) -> (i32, i32) {
    %c0_i32 = arith.constant 0 : i32
    %c0_i32_0 = arith.constant 0 : i32
    %c0_i32_1 = arith.constant 0 : i32
    return %c0_i32, %c0_i32_0 : i32, i32
  }
  func.func @transform_2(%arg0: i32) -> (i32, i32) {
    %c0_i32 = arith.constant 0 : i32
    %c0_i32_0 = arith.constant 0 : i32
    %c0_i32_1 = arith.constant 0 : i32
    return %c0_i32, %c0_i32_0 : i32, i32
  }
  func.func @transform_3(%arg0: i32) -> (i32, i32, i32) {
    %c0_i32 = arith.constant 0 : i32
    %c0_i32_0 = arith.constant 0 : i32
    %c0_i32_1 = arith.constant 0 : i32
    return %c0_i32, %arg0, %c0_i32_0 : i32, i32, i32
  }
  func.func @transform_4(%arg0: i32) -> (i32, i32, i32) {
    %c0_i32 = arith.constant 0 : i32
    %c0_i32_0 = arith.constant 0 : i32
    %c0_i32_1 = arith.constant 0 : i32
    return %c0_i32, %arg0, %c0_i32_0 : i32, i32, i32
  }
  func.func @transform_5(%arg0: i32) -> (i32, i32) {
    %c0_i32 = arith.constant 0 : i32
    %c0_i32_0 = arith.constant 0 : i32
    return %arg0, %c0_i32 : i32, i32
  }
}

module attributes {stable_mosaic.version = 14 : i64} {
  func.func @_tc2_body(%arg0: i32, %arg1: memref<2x1000x128xf32, #tpu.memory_space<vmem>>, %arg2: memref<256x128xf32, #tpu.memory_space<vmem>>, %arg3: memref<1x128xf32, #tpu.memory_space<vmem>>, %arg4: memref<1000x1xf32, #tpu.memory_space<vmem>>, %arg5: memref<2x1000x64xf32, #tpu.memory_space<vmem>>) attributes {dimension_semantics = [#tpu.dimension_semantics<arbitrary>], iteration_bounds = array<i64: 10>, scalar_prefetch = 0 : i64, scratch_operands = 0 : i64, tpu.core_type = #tpu.core_type<tc>, window_params = [{transform_indices = @transform_0, window_bounds = array<i64: 2, 1000, 128>}, {pipeline_mode = #tpu.pipeline_mode<synchronous>, transform_indices = @transform_1, window_bounds = array<i64: 256, 128>}, {pipeline_mode = #tpu.pipeline_mode<synchronous>, transform_indices = @transform_2, window_bounds = array<i64: 1, 128>}, {transform_indices = @transform_3, window_bounds = array<i64: 1000, 1>}, {transform_indices = @transform_4, window_bounds = array<i64: 2, 1000, 64>}]} {
    %get3A = arith.constant 0 : index
    %get3A_0 = arith.constant 0 : index
    %get3A_1 = vector.load %arg4[%get3A, %get3A_0] : memref<1000x1xf32, #tpu.memory_space<vmem>>, vector<1000x1xf32>
    %get3A_2 = arith.constant 0 : index
    %get3A_3 = arith.constant 0 : index
    %get3A_4 = arith.constant 0 : index
    %get3A_5 = vector.load %arg1[%get3A_2, %get3A_3, %get3A_4] : memref<2x1000x128xf32, #tpu.memory_space<vmem>>, vector<1x1000x128xf32>
    %get3A_6 = vector.shape_cast %get3A_5 : vector<1x1000x128xf32> to vector<1000x128xf32>
    %mul3A = vector.broadcast %get3A_1 : vector<1000x1xf32> to vector<1000x128xf32>
    %mul3A_7 = arith.mulf %get3A_6, %mul3A : vector<1000x128xf32>
    %max3A = arith.constant 0.000000e+00 : f32
    %max3A_8 = vector.broadcast %max3A : f32 to vector<1000x128xf32>
    %max3A_9 = arith.maximumf %mul3A_7, %max3A_8 : vector<1000x128xf32>
    %get3A_10 = arith.constant 1 : index
    %get3A_11 = arith.constant 0 : index
    %get3A_12 = arith.constant 0 : index
    %get3A_13 = vector.load %arg1[%get3A_10, %get3A_11, %get3A_12] : memref<2x1000x128xf32, #tpu.memory_space<vmem>>, vector<1x1000x128xf32>
    %get3A_14 = vector.shape_cast %get3A_13 : vector<1x1000x128xf32> to vector<1000x128xf32>
    %mul3A_15 = vector.broadcast %get3A_1 : vector<1000x1xf32> to vector<1000x128xf32>
    %mul3A_16 = arith.mulf %get3A_14, %mul3A_15 : vector<1000x128xf32>
    %max3A_17 = arith.constant 0.000000e+00 : f32
    %max3A_18 = vector.broadcast %max3A_17 : f32 to vector<1000x128xf32>
    %max3A_19 = arith.maximumf %mul3A_16, %max3A_18 : vector<1000x128xf32>
    %get3A_20 = arith.constant 0 : index
    %get3A_21 = arith.constant 0 : index
    %get3A_22 = vector.load %arg2[%get3A_20, %get3A_21] : memref<256x128xf32, #tpu.memory_space<vmem>>, vector<128x128xf32>
    %dot_general3A = arith.constant dense<0.000000e+00> : vector<1000x128xf32>
    %dot_general3A_23 = tpu.matmul %max3A_9, %get3A_22, %dot_general3A {dimension_numbers = #tpu.dot_dimension_numbers<[1], [0], [0], [1], [0, 0, 1, 1], [], []>, transpose_lhs_hint = false} : vector<1000x128xf32>, vector<128x128xf32>, vector<1000x128xf32> -> vector<1000x128xf32>
    %get3A_24 = arith.constant 128 : index
    %get3A_25 = arith.constant 0 : index
    %get3A_26 = vector.load %arg2[%get3A_24, %get3A_25] : memref<256x128xf32, #tpu.memory_space<vmem>>, vector<128x128xf32>
    %dot_general3A_27 = arith.constant dense<0.000000e+00> : vector<1000x128xf32>
    %dot_general3A_28 = tpu.matmul %max3A_19, %get3A_26, %dot_general3A_27 {dimension_numbers = #tpu.dot_dimension_numbers<[1], [0], [0], [1], [0, 0, 1, 1], [], []>, transpose_lhs_hint = false} : vector<1000x128xf32>, vector<128x128xf32>, vector<1000x128xf32> -> vector<1000x128xf32>
    %add3A = arith.addf %dot_general3A_23, %dot_general3A_28 : vector<1000x128xf32>
    %get3A_29 = arith.constant 0 : index
    %get3A_30 = arith.constant 0 : index
    %get3A_31 = vector.load %arg3[%get3A_29, %get3A_30] : memref<1x128xf32, #tpu.memory_space<vmem>>, vector<1x128xf32>
    %add3A_32 = vector.broadcast %get3A_31 : vector<1x128xf32> to vector<1000x128xf32>
    %add3A_33 = arith.addf %add3A, %add3A_32 : vector<1000x128xf32>
    %mul3A_34 = vector.broadcast %get3A_1 : vector<1000x1xf32> to vector<1000x128xf32>
    %mul3A_35 = arith.mulf %add3A_33, %mul3A_34 : vector<1000x128xf32>
    %slice3A = vector.extract_strided_slice %mul3A_35 {offsets = [0, 0], sizes = [1000, 64], strides = [1, 1]} : vector<1000x128xf32> to vector<1000x64xf32>
    %swap3A = arith.constant 0 : index
    %swap3A_36 = arith.constant 0 : index
    %swap3A_37 = arith.constant 0 : index
    %swap3A_38 = vector.load %arg5[%swap3A, %swap3A_36, %swap3A_37] : memref<2x1000x64xf32, #tpu.memory_space<vmem>>, vector<1x1000x64xf32>
    %swap3A_39 = vector.shape_cast %swap3A_38 : vector<1x1000x64xf32> to vector<1000x64xf32>
    %swap3A_40 = vector.shape_cast %slice3A : vector<1000x64xf32> to vector<1x1000x64xf32>
    tpu.vector_store %arg5[%swap3A, %swap3A_36, %swap3A_37], %swap3A_40 {strides = array<i32>} : memref<2x1000x64xf32, #tpu.memory_space<vmem>>, vector<1x1000x64xf32>,
    %slice3A_41 = vector.extract_strided_slice %mul3A_35 {offsets = [0, 64], sizes = [1000, 64], strides = [1, 1]} : vector<1000x128xf32> to vector<1000x64xf32>
    %swap3A_42 = arith.constant 1 : index
    %swap3A_43 = arith.constant 0 : index
    %swap3A_44 = arith.constant 0 : index
    %swap3A_45 = vector.load %arg5[%swap3A_42, %swap3A_43, %swap3A_44] : memref<2x1000x64xf32, #tpu.memory_space<vmem>>, vector<1x1000x64xf32>
    %swap3A_46 = vector.shape_cast %swap3A_45 : vector<1x1000x64xf32> to vector<1000x64xf32>
    %swap3A_47 = vector.shape_cast %slice3A_41 : vector<1000x64xf32> to vector<1x1000x64xf32>
    tpu.vector_store %arg5[%swap3A_42, %swap3A_43, %swap3A_44], %swap3A_47 {strides = array<i32>} : memref<2x1000x64xf32, #tpu.memory_space<vmem>>, vector<1x1000x64xf32>,
    return
  }
  func.func @transform_0(%arg0: i32) -> (i32, i32, i32) {
    %c0_i32 = arith.constant 0 : i32
    %c0_i32_0 = arith.constant 0 : i32
    %c0_i32_1 = arith.constant 0 : i32
    return %c0_i32, %arg0, %c0_i32_0 : i32, i32, i32
  }
  func.func @transform_1(%arg0: i32) -> (i32, i32) {
    %c0_i32 = arith.constant 0 : i32
    %c0_i32_0 = arith.constant 0 : i32
    %c0_i32_1 = arith.constant 0 : i32
    return %c0_i32, %c0_i32_0 : i32, i32
  }
  func.func @transform_2(%arg0: i32) -> (i32, i32) {
    %c0_i32 = arith.constant 0 : i32
    %c0_i32_0 = arith.constant 0 : i32
    %c0_i32_1 = arith.constant 0 : i32
    return %c0_i32, %c0_i32_0 : i32, i32
  }
  func.func @transform_3(%arg0: i32) -> (i32, i32) {
    %c0_i32 = arith.constant 0 : i32
    %c0_i32_0 = arith.constant 0 : i32
    return %arg0, %c0_i32 : i32, i32
  }
  func.func @transform_4(%arg0: i32) -> (i32, i32, i32) {
    %c0_i32 = arith.constant 0 : i32
    %c0_i32_0 = arith.constant 0 : i32
    %c0_i32_1 = arith.constant 0 : i32
    return %c0_i32, %arg0, %c0_i32_0 : i32, i32, i32
  }
}

module attributes {stable_mosaic.version = 14 : i64} {
  func.func @_tc3_body(%arg0: i32, %arg1: memref<2x1000x64xf32, #tpu.memory_space<vmem>>, %arg2: memref<128x256xf32, #tpu.memory_space<vmem>>, %arg3: memref<1x256xf32, #tpu.memory_space<vmem>>, %arg4: memref<1000x1xf32, #tpu.memory_space<vmem>>, %arg5: memref<2x1000x128xf32, #tpu.memory_space<vmem>>) attributes {dimension_semantics = [#tpu.dimension_semantics<arbitrary>], iteration_bounds = array<i64: 10>, scalar_prefetch = 0 : i64, scratch_operands = 0 : i64, tpu.core_type = #tpu.core_type<tc>, window_params = [{transform_indices = @transform_0, window_bounds = array<i64: 2, 1000, 64>}, {pipeline_mode = #tpu.pipeline_mode<synchronous>, transform_indices = @transform_1, window_bounds = array<i64: 128, 256>}, {pipeline_mode = #tpu.pipeline_mode<synchronous>, transform_indices = @transform_2, window_bounds = array<i64: 1, 256>}, {transform_indices = @transform_3, window_bounds = array<i64: 1000, 1>}, {transform_indices = @transform_4, window_bounds = array<i64: 2, 1000, 128>}]} {
    %get3A = arith.constant 0 : index
    %get3A_0 = arith.constant 0 : index
    %get3A_1 = vector.load %arg4[%get3A, %get3A_0] : memref<1000x1xf32, #tpu.memory_space<vmem>>, vector<1000x1xf32>
    %get3A_2 = arith.constant 0 : index
    %get3A_3 = arith.constant 0 : index
    %get3A_4 = arith.constant 0 : index
    %get3A_5 = vector.load %arg1[%get3A_2, %get3A_3, %get3A_4] : memref<2x1000x64xf32, #tpu.memory_space<vmem>>, vector<1x1000x64xf32>
    %get3A_6 = vector.shape_cast %get3A_5 : vector<1x1000x64xf32> to vector<1000x64xf32>
    %mul3A = vector.broadcast %get3A_1 : vector<1000x1xf32> to vector<1000x64xf32>
    %mul3A_7 = arith.mulf %get3A_6, %mul3A : vector<1000x64xf32>
    %get3A_8 = arith.constant 1 : index
    %get3A_9 = arith.constant 0 : index
    %get3A_10 = arith.constant 0 : index
    %get3A_11 = vector.load %arg1[%get3A_8, %get3A_9, %get3A_10] : memref<2x1000x64xf32, #tpu.memory_space<vmem>>, vector<1x1000x64xf32>
    %get3A_12 = vector.shape_cast %get3A_11 : vector<1x1000x64xf32> to vector<1000x64xf32>
    %mul3A_13 = vector.broadcast %get3A_1 : vector<1000x1xf32> to vector<1000x64xf32>
    %mul3A_14 = arith.mulf %get3A_12, %mul3A_13 : vector<1000x64xf32>
    %get3A_15 = arith.constant 0 : index
    %get3A_16 = arith.constant 0 : index
    %get3A_17 = vector.load %arg2[%get3A_15, %get3A_16] : memref<128x256xf32, #tpu.memory_space<vmem>>, vector<64x256xf32>
    %dot_general3A = arith.constant dense<0.000000e+00> : vector<1000x256xf32>
    %dot_general3A_18 = tpu.matmul %mul3A_7, %get3A_17, %dot_general3A {dimension_numbers = #tpu.dot_dimension_numbers<[1], [0], [0], [1], [0, 0, 1, 1], [], []>, transpose_lhs_hint = false} : vector<1000x64xf32>, vector<64x256xf32>, vector<1000x256xf32> -> vector<1000x256xf32>
    %get3A_19 = arith.constant 64 : index
    %get3A_20 = arith.constant 0 : index
    %get3A_21 = vector.load %arg2[%get3A_19, %get3A_20] : memref<128x256xf32, #tpu.memory_space<vmem>>, vector<64x256xf32>
    %dot_general3A_22 = arith.constant dense<0.000000e+00> : vector<1000x256xf32>
    %dot_general3A_23 = tpu.matmul %mul3A_14, %get3A_21, %dot_general3A_22 {dimension_numbers = #tpu.dot_dimension_numbers<[1], [0], [0], [1], [0, 0, 1, 1], [], []>, transpose_lhs_hint = false} : vector<1000x64xf32>, vector<64x256xf32>, vector<1000x256xf32> -> vector<1000x256xf32>
    %add3A = arith.addf %dot_general3A_18, %dot_general3A_23 : vector<1000x256xf32>
    %get3A_24 = arith.constant 0 : index
    %get3A_25 = arith.constant 0 : index
    %get3A_26 = vector.load %arg3[%get3A_24, %get3A_25] : memref<1x256xf32, #tpu.memory_space<vmem>>, vector<1x256xf32>
    %add3A_27 = vector.broadcast %get3A_26 : vector<1x256xf32> to vector<1000x256xf32>
    %add3A_28 = arith.addf %add3A, %add3A_27 : vector<1000x256xf32>
    %mul3A_29 = vector.broadcast %get3A_1 : vector<1000x1xf32> to vector<1000x256xf32>
    %mul3A_30 = arith.mulf %add3A_28, %mul3A_29 : vector<1000x256xf32>
    %slice3A = vector.extract_strided_slice %mul3A_30 {offsets = [0, 0], sizes = [1000, 128], strides = [1, 1]} : vector<1000x256xf32> to vector<1000x128xf32>
    %swap3A = arith.constant 0 : index
    %swap3A_31 = arith.constant 0 : index
    %swap3A_32 = arith.constant 0 : index
    %swap3A_33 = vector.load %arg5[%swap3A, %swap3A_31, %swap3A_32] : memref<2x1000x128xf32, #tpu.memory_space<vmem>>, vector<1x1000x128xf32>
    %swap3A_34 = vector.shape_cast %swap3A_33 : vector<1x1000x128xf32> to vector<1000x128xf32>
    %swap3A_35 = vector.shape_cast %slice3A : vector<1000x128xf32> to vector<1x1000x128xf32>
    tpu.vector_store %arg5[%swap3A, %swap3A_31, %swap3A_32], %swap3A_35 {strides = array<i32>} : memref<2x1000x128xf32, #tpu.memory_space<vmem>>, vector<1x1000x128xf32>,
    %slice3A_36 = vector.extract_strided_slice %mul3A_30 {offsets = [0, 128], sizes = [1000, 128], strides = [1, 1]} : vector<1000x256xf32> to vector<1000x128xf32>
    %swap3A_37 = arith.constant 1 : index
    %swap3A_38 = arith.constant 0 : index
    %swap3A_39 = arith.constant 0 : index
    %swap3A_40 = vector.load %arg5[%swap3A_37, %swap3A_38, %swap3A_39] : memref<2x1000x128xf32, #tpu.memory_space<vmem>>, vector<1x1000x128xf32>
    %swap3A_41 = vector.shape_cast %swap3A_40 : vector<1x1000x128xf32> to vector<1000x128xf32>
    %swap3A_42 = vector.shape_cast %slice3A_36 : vector<1000x128xf32> to vector<1x1000x128xf32>
    tpu.vector_store %arg5[%swap3A_37, %swap3A_38, %swap3A_39], %swap3A_42 {strides = array<i32>} : memref<2x1000x128xf32, #tpu.memory_space<vmem>>, vector<1x1000x128xf32>,
    return
  }
  func.func @transform_0(%arg0: i32) -> (i32, i32, i32) {
    %c0_i32 = arith.constant 0 : i32
    %c0_i32_0 = arith.constant 0 : i32
    %c0_i32_1 = arith.constant 0 : i32
    return %c0_i32, %arg0, %c0_i32_0 : i32, i32, i32
  }
  func.func @transform_1(%arg0: i32) -> (i32, i32) {
    %c0_i32 = arith.constant 0 : i32
    %c0_i32_0 = arith.constant 0 : i32
    %c0_i32_1 = arith.constant 0 : i32
    return %c0_i32, %c0_i32_0 : i32, i32
  }
  func.func @transform_2(%arg0: i32) -> (i32, i32) {
    %c0_i32 = arith.constant 0 : i32
    %c0_i32_0 = arith.constant 0 : i32
    %c0_i32_1 = arith.constant 0 : i32
    return %c0_i32, %c0_i32_0 : i32, i32
  }
  func.func @transform_3(%arg0: i32) -> (i32, i32) {
    %c0_i32 = arith.constant 0 : i32
    %c0_i32_0 = arith.constant 0 : i32
    return %arg0, %c0_i32 : i32, i32
  }
  func.func @transform_4(%arg0: i32) -> (i32, i32, i32) {
    %c0_i32 = arith.constant 0 : i32
    %c0_i32_0 = arith.constant 0 : i32
    %c0_i32_1 = arith.constant 0 : i32
    return %c0_i32, %arg0, %c0_i32_0 : i32, i32, i32
  }
}

module attributes {stable_mosaic.version = 14 : i64} {
  func.func @_tc4_body(%arg0: i32, %arg1: memref<2x1000x128xf32, #tpu.memory_space<vmem>>, %arg2: memref<1000x1xf32, #tpu.memory_space<vmem>>, %arg3: memref<1000x256xf32, #tpu.memory_space<vmem>>) attributes {dimension_semantics = [#tpu.dimension_semantics<arbitrary>], iteration_bounds = array<i64: 10>, scalar_prefetch = 0 : i64, scratch_operands = 0 : i64, tpu.core_type = #tpu.core_type<tc>, window_params = [{transform_indices = @transform_0, window_bounds = array<i64: 2, 1000, 128>}, {transform_indices = @transform_1, window_bounds = array<i64: 1000, 1>}, {transform_indices = @transform_2, window_bounds = array<i64: 1000, 256>}]} {
    %get3A = arith.constant 0 : index
    %get3A_0 = arith.constant 0 : index
    %get3A_1 = vector.load %arg2[%get3A, %get3A_0] : memref<1000x1xf32, #tpu.memory_space<vmem>>, vector<1000x1xf32>
    %get3A_2 = arith.constant 0 : index
    %get3A_3 = arith.constant 0 : index
    %get3A_4 = arith.constant 0 : index
    %get3A_5 = vector.load %arg1[%get3A_2, %get3A_3, %get3A_4] : memref<2x1000x128xf32, #tpu.memory_space<vmem>>, vector<1x1000x128xf32>
    %get3A_6 = vector.shape_cast %get3A_5 : vector<1x1000x128xf32> to vector<1000x128xf32>
    %mul3A = vector.broadcast %get3A_1 : vector<1000x1xf32> to vector<1000x128xf32>
    %mul3A_7 = arith.mulf %get3A_6, %mul3A : vector<1000x128xf32>
    %swap3A = arith.constant 0 : index
    %swap3A_8 = arith.constant 0 : index
    %swap3A_9 = vector.load %arg3[%swap3A, %swap3A_8] : memref<1000x256xf32, #tpu.memory_space<vmem>>, vector<1000x128xf32>
    tpu.vector_store %arg3[%swap3A, %swap3A_8], %mul3A_7 {strides = array<i32>} : memref<1000x256xf32, #tpu.memory_space<vmem>>, vector<1000x128xf32>,
    %get3A_10 = arith.constant 1 : index
    %get3A_11 = arith.constant 0 : index
    %get3A_12 = arith.constant 0 : index
    %get3A_13 = vector.load %arg1[%get3A_10, %get3A_11, %get3A_12] : memref<2x1000x128xf32, #tpu.memory_space<vmem>>, vector<1x1000x128xf32>
    %get3A_14 = vector.shape_cast %get3A_13 : vector<1x1000x128xf32> to vector<1000x128xf32>
    %mul3A_15 = vector.broadcast %get3A_1 : vector<1000x1xf32> to vector<1000x128xf32>
    %mul3A_16 = arith.mulf %get3A_14, %mul3A_15 : vector<1000x128xf32>
    %swap3A_17 = arith.constant 0 : index
    %swap3A_18 = arith.constant 128 : index
    %swap3A_19 = vector.load %arg3[%swap3A_17, %swap3A_18] : memref<1000x256xf32, #tpu.memory_space<vmem>>, vector<1000x128xf32>
    tpu.vector_store %arg3[%swap3A_17, %swap3A_18], %mul3A_16 {strides = array<i32>} : memref<1000x256xf32, #tpu.memory_space<vmem>>, vector<1000x128xf32>,
    return
  }
  func.func @transform_0(%arg0: i32) -> (i32, i32, i32) {
    %c0_i32 = arith.constant 0 : i32
    %c0_i32_0 = arith.constant 0 : i32
    %c0_i32_1 = arith.constant 0 : i32
    return %c0_i32, %arg0, %c0_i32_0 : i32, i32, i32
  }
  func.func @transform_1(%arg0: i32) -> (i32, i32) {
    %c0_i32 = arith.constant 0 : i32
    %c0_i32_0 = arith.constant 0 : i32
    return %arg0, %c0_i32 : i32, i32
  }
  func.func @transform_2(%arg0: i32) -> (i32, i32) {
    %c0_i32 = arith.constant 0 : i32
    %c0_i32_0 = arith.constant 0 : i32
    return %arg0, %c0_i32 : i32, i32
  }
}

</mosaic_0001>

<sc_bundles>
// kernel: kernel.10.cloned.1.call-start
scs
__scs_entry_jumppad:
0x0: {  	(pc) =	sbr.rel $0x88, $3  }
0x1: {  	(tag) =	ssettag $0x0;
	lr =	simm.s32 $0x1  }
0x2: {  	[smem:$0x3F99] =	sst lr;
	_ =	strace $0xD0000000  }
0x3: {  	_ = 	snop  }
0x4: {  	_ = 	snop  }
0x5: {  	_ = 	snop  }
0x6: {  	_ = 	snop  }
0x7: {  	_ = 	snop  }
__scs_overlays_trampoline_lowered:
0x8: {  	[smem:$0x3FA8] =	sst s0  }
0x9: {  	[smem:$0x3FA9] =	sst s1  }
0xa: {  	[smem:$0x3FAA] =	sst s2  }
0xb: {  	[smem:$0x3FAB] =	sst s3  }
0xc: {  	[smem:$0x3FAC] =	sst s4  }
0xd: {  	[smem:$0x3FAD] =	sst s5  }
0xe: {  	[smem:$0x3FAE] =	sst s6  }
0xf: {  	[smem:$0x3FAF] =	sst s7  }
0x10: {  	[smem:$0x3FB0] =	sst s8  }
0x11: {  	[smem:$0x3FB1] =	sst s9;
	s0 =	simm.s32 @!p0 $0x0  }
0x12: {  	s1 =	sld [smem:$0x3F97];
	s0 =	simm.s32 @p0 $0x1  }
0x13: {  	[smem:$0x3FB2] =	sst s0;
	s0 =	simm.s32 @!p1 $0x0  }
0x14: {  	s2 =	sld [smem:$0x3F96];
	s0 =	simm.s32 @p1 $0x1  }
0x15: {  	[smem:$0x3FB3] =	sst s0;
	s0 =	simm.s32 @!p2 $0x0  }
0x16: {  	s3 =	sld [smem:$0x3FDB];
	s0 =	simm.s32 @p2 $0x1  }
0x17: {  	s4 =	simm.s32 $0x1BF5;
	[smem:$0x3FB5] =	sst s0  }
0x18: {  	s0 =	sld [smem:$0x3F98];
	_ =	swait.ge [sflag:s4], $0x0  }
0x19: {  	s7 =	sld [smem:$0x3F99]  }
0x1a: {  	s8 =	sadd.s32 $0xFFFFE003, lr  }
0x1b: {  	s9 =	sadd.s32 $0xFFFFFEF7, lr;
	s5 =	simm.s32 $0xFFFFFFFF;
	p2 =	slt.u32 s8, $0xFFFFF086  }
0x1c: {  	p1 =	slt.u32 s9, $0xF7A;
	s5 =	simm.s32 @!p2 $0x0  }
0x1d: {  	s5 =	simm.s32 @p1 $0x1;
	p0 =	seq.s32 s7, s2  }
0x1e: {  	s7 =	smul.u32 @!p0 $0xF7A, s2;
	p2 =	seq.s32 @!p0 s5, $0x0  }
0x1f: {  	s9 =	smul.u32 $0xF7A, s1;
	s8 =	simm.s32 @!p0 $0x1BF5;
	p2 =	por !p2, p0  }
0x20: {  	[sflag:s8] =	ssyncset.s32 @!p0 $0xFFFFF086;
	s6 =	sadd.s32 @!p0 s3, s7;
	s7 =	simm.s32 @!p0 $0x108  }
0x21: {  	s3 =	sadd.s32 s3, s9;
	s6 =	sadd.s32 @!p0 $0x88, s6;
	s7 =	simm.s32 @p2 $0x1082  }
0x22: {  	[simem:s7], [sflag:s8] =	dma.local @!p0 [hbm:s6], $0xF7A  }
0x23: {  	s9 =	sor.u32 $0xD0000000, s2;
	s6 =	simm.s32 $0x108;
	_ =	swait.ge @!p0 [sflag:s8], $0x0  }
0x24: {  	s3 =	sadd.s32 $0x88, s3;
	s6 =	simm.s32 @!p1 $0x1082;
	[sflag:s4] =	ssyncset.s32 $0xFFFFF086  }
0x25: {  	[simem:s6], [sflag:s4] =	dma.local [hbm:s3], $0xF7A  }
0x26: {  	[smem:$0x3F99] =	sst s1;
	(tag) =	ssettag s2;
	_ =	strace s9  }
0x27: {  	s1 =	sld [smem:$0x3FA9]  }
0x28: {  	s2 =	sld [smem:$0x3FAA]  }
0x29: {  	s4 =	sld [smem:$0x3FAC]  }
0x2a: {  	p0 =	seq.s32 s5, $0x0;
	s5 =	sld [smem:$0x3FAD]  }
0x2b: {  	s6 =	sld [smem:$0x3FAE]  }
0x2c: {  	s7 =	sld [smem:$0x3FAF]  }
0x2d: {  	s3 =	simm.s32 $0x108;
	s8 =	sld [smem:$0x3FB0]  }
0x2e: {  	s3 =	simm.s32 @!p0 $0x1082;
	s9 =	sld [smem:$0x3FB1]  }
0x2f: {  	lr =	sadd.s32 s0, s3;
	s0 =	sld [smem:$0x3FA8]  }
0x30: {  	s3 =	sld [smem:$0x3FAB]  }
0x31: {  	[smem:$0x3FB4] =	sst s10  }
0x32: {  	s10 =	sld [smem:$0x3FB2];
	_ =	sdelay $0x3  }
0x33: {  	p0 =	seq.s32 s10, $0x1;
	s10 =	sld [smem:$0x3FB4];
	_ =	sdelay $0x3  }
0x34: {  	[smem:$0x3FB4] =	sst s10  }
0x35: {  	s10 =	sld [smem:$0x3FB3];
	_ =	sdelay $0x3  }
0x36: {  	p1 =	seq.s32 s10, $0x1;
	s10 =	sld [smem:$0x3FB4];
	_ =	sdelay $0x3  }
0x37: {  	[smem:$0x3FB4] =	sst s10  }
0x38: {  	s10 =	sld [smem:$0x3FB5]  }
0x39: {  	_ = 	snop;
	(pc) =	sbr.ind lr, $3  }
0x3a: {  	_ = 	snop  }
0x3b: {  	_ = 	snop  }
0x3c: {  	p2 =	seq.s32 s10, $0x1;
	s10 =	sld [smem:$0x3FB4]  }
0x3d: {  	_ =	shalt  }
0x3e: {  	_ =	shalt  }
0x3f: {  	_ =	shalt  }
0x40: {  	_ =	shalt  }
0x41: {  	_ =	shalt  }
0x42: {  	_ =	shalt  }
0x43: {  	_ =	shalt  }
0x44: {  	_ =	shalt  }
0x45: {  	_ =	shalt  }
0x46: {  	_ =	shalt  }
0x47: {  	_ =	shalt  }
0x48: {  	_ =	shalt  }
0x49: {  	_ =	shalt  }
0x4a: {  	_ =	shalt  }
0x4b: {  	_ =	shalt  }
0x4c: {  	_ =	shalt  }
0x4d: {  	_ =	shalt  }
0x4e: {  	_ =	shalt  }
0x4f: {  	_ =	shalt  }
0x50: {  	_ =	shalt  }
0x51: {  	_ =	shalt  }
0x52: {  	_ =	shalt  }
0x53: {  	_ =	shalt  }
0x54: {  	_ =	shalt  }
0x55: {  	_ =	shalt  }
0x56: {  	_ =	shalt  }
0x57: {  	_ =	shalt  }
0x58: {  	_ =	shalt  }
0x59: {  	_ =	shalt  }
0x5a: {  	_ =	shalt  }
0x5b: {  	_ =	shalt  }
0x5c: {  	_ =	shalt  }
0x5d: {  	_ =	shalt  }
0x5e: {  	_ =	shalt  }
0x5f: {  	_ =	shalt  }
0x60: {  	_ =	shalt  }
0x61: {  	_ =	shalt  }
0x62: {  	_ =	shalt  }
0x63: {  	_ =	shalt  }
0x64: {  	_ =	shalt  }
0x65: {  	_ =	shalt  }
0x66: {  	_ =	shalt  }
0x67: {  	_ =	shalt  }
0x68: {  	_ =	shalt  }
0x69: {  	_ =	shalt  }
0x6a: {  	_ =	shalt  }
0x6b: {  	_ =	shalt  }
0x6c: {  	_ =	shalt  }
0x6d: {  	_ =	shalt  }
0x6e: {  	_ =	shalt  }
0x6f: {  	_ =	shalt  }
0x70: {  	_ =	shalt  }
0x71: {  	_ =	shalt  }
0x72: {  	_ =	shalt  }
0x73: {  	_ =	shalt  }
0x74: {  	_ =	shalt  }
0x75: {  	_ =	shalt  }
0x76: {  	_ =	shalt  }
0x77: {  	_ =	shalt  }
0x78: {  	_ =	shalt  }
0x79: {  	_ =	shalt  }
0x7a: {  	_ =	shalt  }
0x7b: {  	_ =	shalt  }
0x7c: {  	_ =	shalt  }
0x7d: {  	_ =	shalt  }
0x7e: {  	_ =	shalt  }
0x7f: {  	_ =	shalt  }
0x80: {  	_ =	shalt  }
0x81: {  	_ =	shalt  }
0x82: {  	_ =	shalt  }
0x83: {  	_ =	shalt  }
0x84: {  	_ =	shalt  }
0x85: {  	_ =	shalt  }
0x86: {  	_ =	shalt  }
0x87: {  	_ =	shalt  }
.Lfunc_end0:
.L_simem_size_0:
called_computation_lowered:
.L_overlay_start_0:
0x88: {  	s2 =	sld [smem:$0x3FD9]  }
0x89: {  	s3 =	sld [smem:$0x3FFE];
	_ =	sdelay $0x1  }
0x8a: {  	s1 =	srdreg.scid  }
0x8b: {  	s0 =	sand.u32 $0x1, s1  }
0x8c: {  	s17 =	sshll.u32 s0, $0xA;
	s2 =	sadd.s32 s3, s2  }
0x8d: {  	s2 =	sadd.s32 s2, s17  }
0x8e: {  	[smem:$0x3FC0] =	sst s2  }
0x8f: {  	_ = 	snop  }
0x90: {  	s2 =	sld [smem:$0x3FD0];
	(tm) =	ssettm $0x1  }
0x91: {  	s18 =	sld [smem:$0x3FFB];
	_ =	sdelay $0x3  }
0x92: {  	_ =	strace s18  }
0x93: {  	s3 =	sld [smem:$0x3FFC];
	_ =	sdelay $0x3  }
0x94: {  	_ =	strace s3  }
0x95: {  	s3 =	sld [smem:$0x3FFD];
	_ =	sdelay $0x3  }
0x96: {  	_ =	strace s3  }
0x97: {  	_ =	strace $0x8FFFFFFF  }
0x98: {  	s19 =	sld [smem:$0x3FDB];
	_ =	sdelay $0x1  }
0x99: {  	s4 =	simm.s32 $_scs_section_size  }
0x9a: {  	s5 =	simm.s32 $_size__tile_overlayer_lowered;
	s6 =	simm.s32 $_tile_overlayer_lowered  }
0x9b: {  	s22 =	simm.s32 $0x1BFF;
	s21 =	sshll.u32 s6, $0x1;
	s3 =	sadd.s32 s4, s19  }
0x9c: {  	s7 =	simm.s32 $0x0;
	s20 =	sshll.u32 s5, $0x1;
	s5 =	sadd.s32 s21, s3  }
0x9d: {  	[timem:s7], [sflag:s22] =	dma.local [hbm:s5], s20  }
0x9e: {  	_ =	swait.ge [sflag:s22], s20  }
0x9f: {  	s4 =	ssub.s32 $0x0, s20;
	[sflag:s22] =	ssyncset.done $0x0  }
0xa0: {  	[sflag:s22] =	ssyncadd.s32 s4;
	_ =	sdelay $0x1  }
0xa1: {  	s23 =	simm.s32 $0x1B8B  }
0xa2: {  	_ =	swait.ge [sflag:s23], $0x1  }
0xa3: {  	[sflag:s23] =	ssyncset.done $0x0  }
0xa4: {  	s25 =	simm.s32 $0x1B8E;
	s24 =	sld [smem:$0x3FFE];
	[sflag:s23] =	ssyncadd.s32 $0xFFFFFFFF  }
0xa5: {  	s26 =	simm.s32 $execute0_lowered;
	[smem:$0x3FD2] =	sst s25  }
0xa6: {  	s5 =	sshll.u32 s26, $0x1;
	_ =	strace $0x80000046;
	[dreg:$0x1] =	wrdreg $0xFFFFFFFF  }
0xa7: {  	s28 =	simm.s32 $_size_execute0_lowered;
	s3 =	sadd.s32 s3, s5;
	[dreg:$0x0] =	wrdreg $0x0  }
0xa8: {  	s5 =	sshll.u32 s28, $0x1;
	[dreg:$0x2] =	wrdreg s3  }
0xa9: {  	[dreg:$0x3] =	wrdreg s5  }
0xaa: {  	[dreg:$0x4] =	wrdreg $0xC0  }
0xab: {  	_ =	task [dreg:s7], $0x5FFFF  }
0xac: {  	[dreg:$0x1] =	wrdreg $0xFFFFFFFF  }
0xad: {  	[dreg:$0x0] =	wrdreg $0x60  }
0xae: {  	[dreg:$0x2] =	wrdreg s2  }
0xaf: {  	[dreg:$0x3] =	wrdreg s24  }
0xb0: {  	[dreg:$0x4] =	wrdreg $0x41A00  }
0xb1: {  	[dreg:$0x5] =	wrdreg $0x9  }
0xb2: {  	_ =	task.clear_ibuf [dreg:s7], $0x6FFFF;
	_ =	strace $0x90000046  }
0xb3: {  	s29 =	simm.s32 $0x9;
	_ =	strace $0x80000048  }
0xb4: {  	_ =	swait.ge [sflag:s29], $0x1  }
0xb5: {  	[sflag:s29] =	ssyncadd.s32 $0xFFFFFFFF  }
0xb6: {  	_ =	strace $0x90000048  }
0xb7: {  	_ =	sfence  }
0xb8: {  	s30 =	sld [smem:$0x0];
	_ =	sdelay $0x2  }
0xb9: {  	s31 =	sshll.u32 s1, $0xD;
	s1 =	sshrl.u32 s1, $0x2  }
0xba: {  	s3 =	sand.u32 $0x4000, s31;
	s1 =	sadd.s32 s1, s30  }
0xbb: {  	s0 =	sor.u32 s3, s0;
	s1 =	sshll.u32 s1, $0x11  }
0xbc: {  	s0 =	sor.u32 s1, s0  }
0xbd: {  	s0 =	sadd.s32 $0x8F2B, s0  }
0xbe: {  	[sflag:s0] =	ssyncadd.remote.s32 $0x1  }
0xbf: {  	_ =	sfence.sel $0xFFFF  }
0xc0: {  	[dreg:$0x0] =	wrdreg $0xFFFFFFFF;
	(pc) =	sbr.abs _section_cstart, $3  }
0xc1: {  	[dreg:$0x1] =	wrdreg $0xFFFFFFFF  }
0xc2: {  	_ =	task.clear_ibuf [dreg:s7], $0x2FFFF;
	_ =	strace $0x9FFFFFFF  }
0xc3: {  	(tm) =	ssettm $0x7FFFFFFF  }
tec
execute0_lowered:
.L_overlay_start_1:
0x0: {  	(tag) =	ssettag $0x1  }
0x1: {  	s5 =	rddreg [dreg:$0x0]  }
0x2: {  	s6 =	rddreg [dreg:$0x1]  }
0x3: {  	s1 =	rddreg [dreg:$0x2]  }
0x4: {  	s0 =	rddreg [dreg:$0x3];
	s3 =	simm.s32 $0x0  }
0x5: {  	s4 =	srdreg.scid;
	s2 =	stileid.u32;
	s12 =	simm.s32 $0x64  }
0x6: {  	s13 =	simm.s32 $0x0;
	[smem:$0x7FF] =	sst s3;
	s8 =	smul.u32 $0x4E2, s2  }
0x7: {  	s7 =	sand.u32 $0x1, s4;
	s4 =	sadd.s32 $0x1600, s6;
	s11 =	smul.u32 $0x9C40, s2  }
0x8: {  	s9 =	smul.u32 $0x4E20, s7;
	s10 =	sshll.u32 s7, $0x4;
	s7 =	ssub.s32 $0x2, s7  }
0x9: {  	_ =	strace $0x80000047;
	s10 =	sor.u32 s2, s10;
	s30 =	sshrl.u32 s7, $0x1  }
0xa: {  	s31 =	sshrl.u32 s11, $0x2;
	s8 =	sadd.s32 s8, s9;
	s10 =	smul.u32 $0x28A, s10  }
0xb: {  	s11 =	simm.s32 $0x1A90;
	s9 =	ssub.s32 s7, s30;
	s8 =	sadd.s32 s8, s6  }
0xc: {  	s6 =	sadd.s32 s31, s1;
	s5 =	sadd.s32 s5, s10;
	s7 =	sadd.s32 $0x1C00, s8  }
0xd: {  	s8 =	smax.u32 s9, $0x1;
	s9 =	simm.s32 $0x1;
	s10 =	simm.s32 $0x1450  }
.LBB2_1:
0xe: {  	[tilespmem:s3], [sflag:$0x1] =	stream.linear.gather [hbm4b:s5+s3], $0x1450, $0x38;
	[tilespmem:$0x68B0] =	vst v63  }
0xf: {  	_ =	swait.ge [sflag:s9], $0x1450  }
0x10: {  	[sflag:s9] =	ssyncset.done $0x0  }
0x11: {  	[sflag:s9] =	ssyncadd.s32 $0xFFFFEBB0  }
0x12: {  	[tilespmem:s10], [sflag:$0x1] =	stream.linear.gather [hbm4b:s4+s3], $0x640, $0x38;
	[tilespmem:$0x68B0] =	vst v63  }
0x13: {  	_ =	swait.ge [sflag:s9], $0x640  }
0x14: {  	[sflag:s9] =	ssyncset.done $0x0  }
0x15: {  	[sflag:s9] =	ssyncadd.s32 $0xFFFFF9C0  }
0x16: {  	[tilespmem:s11], [sflag:$0x1] =	stream.linear.gather [hbm4b:s4+s3], $0x2710, $0x38;
	[tilespmem:$0x68B0] =	vst v63  }
0x17: {  	_ =	swait.ge [sflag:s9], $0x2710  }
0x18: {  	[sflag:s9] =	ssyncset.done $0x0  }
0x19: {  	[sflag:s9] =	ssyncadd.s32 $0xFFFFD8F0  }
0x1a: {  	[spmem:s6] =	stream.linear.scatter [tilespmem:s11], [sflag:$0x1], $0x2710, $0x38;
	[tilespmem:$0x68B0] =	vst v63  }
0x1b: {  	_ =	swait.ge [sflag:s9], $0x2710  }
0x1c: {  	[sflag:s9] =	ssyncset.done $0x0  }
0x1d: {  	[sflag:s9] =	ssyncadd.s32 $0xFFFFD8F0  }
0x1e: {  	s14 =	simm.s32 $0x0;
	[bflag:$0x0] =	sbarrier.arrive $0xFFFF  }
0x1f: {  	[spmem:s1] =	stream.indirect.scatter.add.f32 [tilespmem:s10], [sflag:$0x1], $0x10, s14, s12, $0xb8;
	[tilespmem:$0x68B0] =	vst v63  }
0x20: {  	_ =	swait.ge [sflag:s9], $0x640  }
0x21: {  	s14 =	simm.s32 $0x1A0;
	[sflag:s9] =	ssyncset.done $0x0  }
.LBB2_2:
0x22: {  	s15 =	sshra.s32 s14, $0x2;
	[sflag:s9] =	ssyncadd.s32 $0xFFFFF9C0;
	p0 =	sne.s32 s14, $0x4FA0  }
0x23: {  	[spmem:s1] =	stream.indirect.scatter.add.f32 [tilespmem:s10], [sflag:$0x1], $0x10, s15, s12, $0xb8;
	[tilespmem:$0x68B0] =	vst v63  }
.Ltmp0:
0x24: {  	_ = 	snop;
	(pc) =	sbr.rel @p0 .LBB2_2-.Ltmp0, $4  }
0x25: {  	_ = 	snop  }
0x26: {  	s14 =	sadd.s32 $0x1A0, s14  }
0x27: {  	_ =	swait.ge [sflag:s9], $0x640  }
0x28: {  	[sflag:s9] =	ssyncset.done $0x0  }
0x29: {  	[sflag:s9] =	ssyncadd.s32 $0xFFFFF9C0  }
0x2a: {  	[bflag:$0x0] =	sbarrier.arrive $0xFFFF  }
0x2b: {  	[tilespmem:s11], [sflag:$0x1] =	stream.linear.gather [spmem:s6], $0x2710, $0x38;
	[tilespmem:$0x68B0] =	vst v63  }
0x2c: {  	s13 =	sadd.s32 $0x1, s13;
	_ =	swait.ge [sflag:s9], $0x2710  }
0x2d: {  	p0 =	sne.s32 s13, s8;
	[sflag:s9] =	ssyncset.done $0x0  }
.Ltmp1:
0x2e: {  	[sflag:s9] =	ssyncadd.s32 $0xFFFFD8F0;
	(pc) =	sbr.rel @p0 .LBB2_1-.Ltmp1, $4  }
0x2f: {  	[hbm4b:s7+s3] =	stream.linear.scatter [tilespmem:s11], [sflag:$0x1], $0x2710, $0x38;
	[tilespmem:$0x68B0] =	vst v63  }
0x30: {  	_ =	swait.ge [sflag:s9], $0x2710  }
0x31: {  	[sflag:s9] =	ssyncset.done $0x0  }
0x32: {  	[sflag:s9] =	ssyncadd.s32 $0xFFFFD8F0  }
0x33: {  	_ =	sfence.sel $0x180000  }
0x34: {  	[bflag:$0x0] =	sbarrier.arrive $0xFFFF  }
0x35: {  	p0 =	sne.s32 s2, $0x0;
	_ =	strace $0x90000047  }
0x36: {  	s0 =	sadd.s32 @!p0 $0x100000, s0;
	[bflag:$0x2] =	sbarrier.arrive $0xFFFF  }
0x37: {  	[sflag:s0] =	ssyncadd.tile.s32 @!p0 $0x1;
	_ =	shalt  }
.Lfunc_end2:
_tile_overlayer_lowered:
.L_overlay_start_2:
0x38: {  	(tag) =	ssettag $0x2  }
0x39: {  	s0 =	rddreg [dreg:$0x0];
	s2 =	stileid.u32  }
0x3a: {  	s1 =	rddreg [dreg:$0x1];
	p0 =	sne.s32 s2, $0x0  }
0x3b: {  	s3 =	rddreg [dreg:$0x2];
	[bflag:$0x3] =	sbarrier.arrive $0xFFFF;
	s2 =	simm.s32 @!p0 $0x1C01  }
0x3c: {  	[timem:s3], [sflag:s2] =	dma.local @!p0 [hbm:s0], s1  }
0x3d: {  	s0 =	simm.s32 @!p0 $0x1  }
0x3e: {  	_ =	swait.ge @!p0 [sflag:s0], s1  }
0x3f: {  	s1 =	ssub.s32 @!p0 $0x0, s1;
	[sflag:s0] =	ssyncset.done @!p0 $0x0  }
0x40: {  	[sflag:s0] =	ssyncadd.s32 @!p0 s1  }
0x41: {  	[bflag:$0x3] =	sbarrier.arrive $0xFFFF  }
0x42: {  	_ =	shalt  }

// kernel: kernel.13.cloned.1.call-start
scs
__scs_entry_jumppad:
0x0: {  	(pc) =	sbr.rel $0x88, $3  }
0x1: {  	(tag) =	ssettag $0x0;
	lr =	simm.s32 $0x1  }
0x2: {  	[smem:$0x3F99] =	sst lr;
	_ =	strace $0xD0000000  }
0x3: {  	_ = 	snop  }
0x4: {  	_ = 	snop  }
0x5: {  	_ = 	snop  }
0x6: {  	_ = 	snop  }
0x7: {  	_ = 	snop  }
__scs_overlays_trampoline_lowered:
0x8: {  	[smem:$0x3FA8] =	sst s0  }
0x9: {  	[smem:$0x3FA9] =	sst s1  }
0xa: {  	[smem:$0x3FAA] =	sst s2  }
0xb: {  	[smem:$0x3FAB] =	sst s3  }
0xc: {  	[smem:$0x3FAC] =	sst s4  }
0xd: {  	[smem:$0x3FAD] =	sst s5  }
0xe: {  	[smem:$0x3FAE] =	sst s6  }
0xf: {  	[smem:$0x3FAF] =	sst s7  }
0x10: {  	[smem:$0x3FB0] =	sst s8  }
0x11: {  	[smem:$0x3FB1] =	sst s9;
	s0 =	simm.s32 @!p0 $0x0  }
0x12: {  	s1 =	sld [smem:$0x3F97];
	s0 =	simm.s32 @p0 $0x1  }
0x13: {  	[smem:$0x3FB2] =	sst s0;
	s0 =	simm.s32 @!p1 $0x0  }
0x14: {  	s2 =	sld [smem:$0x3F96];
	s0 =	simm.s32 @p1 $0x1  }
0x15: {  	[smem:$0x3FB3] =	sst s0;
	s0 =	simm.s32 @!p2 $0x0  }
0x16: {  	s3 =	sld [smem:$0x3FDB];
	s0 =	simm.s32 @p2 $0x1  }
0x17: {  	s4 =	simm.s32 $0x1BF5;
	[smem:$0x3FB5] =	sst s0  }
0x18: {  	s0 =	sld [smem:$0x3F98];
	_ =	swait.ge [sflag:s4], $0x0  }
0x19: {  	s7 =	sld [smem:$0x3F99]  }
0x1a: {  	s8 =	sadd.s32 $0xFFFFE003, lr  }
0x1b: {  	s9 =	sadd.s32 $0xFFFFFEF7, lr;
	s5 =	simm.s32 $0xFFFFFFFF;
	p2 =	slt.u32 s8, $0xFFFFF086  }
0x1c: {  	p1 =	slt.u32 s9, $0xF7A;
	s5 =	simm.s32 @!p2 $0x0  }
0x1d: {  	s5 =	simm.s32 @p1 $0x1;
	p0 =	seq.s32 s7, s2  }
0x1e: {  	s7 =	smul.u32 @!p0 $0xF7A, s2;
	p2 =	seq.s32 @!p0 s5, $0x0  }
0x1f: {  	s9 =	smul.u32 $0xF7A, s1;
	s8 =	simm.s32 @!p0 $0x1BF5;
	p2 =	por !p2, p0  }
0x20: {  	[sflag:s8] =	ssyncset.s32 @!p0 $0xFFFFF086;
	s6 =	sadd.s32 @!p0 s3, s7;
	s7 =	simm.s32 @!p0 $0x108  }
0x21: {  	s3 =	sadd.s32 s3, s9;
	s6 =	sadd.s32 @!p0 $0x88, s6;
	s7 =	simm.s32 @p2 $0x1082  }
0x22: {  	[simem:s7], [sflag:s8] =	dma.local @!p0 [hbm:s6], $0xF7A  }
0x23: {  	s9 =	sor.u32 $0xD0000000, s2;
	s6 =	simm.s32 $0x108;
	_ =	swait.ge @!p0 [sflag:s8], $0x0  }
0x24: {  	s3 =	sadd.s32 $0x88, s3;
	s6 =	simm.s32 @!p1 $0x1082;
	[sflag:s4] =	ssyncset.s32 $0xFFFFF086  }
0x25: {  	[simem:s6], [sflag:s4] =	dma.local [hbm:s3], $0xF7A  }
0x26: {  	[smem:$0x3F99] =	sst s1;
	(tag) =	ssettag s2;
	_ =	strace s9  }
0x27: {  	s1 =	sld [smem:$0x3FA9]  }
0x28: {  	s2 =	sld [smem:$0x3FAA]  }
0x29: {  	s4 =	sld [smem:$0x3FAC]  }
0x2a: {  	p0 =	seq.s32 s5, $0x0;
	s5 =	sld [smem:$0x3FAD]  }
0x2b: {  	s6 =	sld [smem:$0x3FAE]  }
0x2c: {  	s7 =	sld [smem:$0x3FAF]  }
0x2d: {  	s3 =	simm.s32 $0x108;
	s8 =	sld [smem:$0x3FB0]  }
0x2e: {  	s3 =	simm.s32 @!p0 $0x1082;
	s9 =	sld [smem:$0x3FB1]  }
0x2f: {  	lr =	sadd.s32 s0, s3;
	s0 =	sld [smem:$0x3FA8]  }
0x30: {  	s3 =	sld [smem:$0x3FAB]  }
0x31: {  	[smem:$0x3FB4] =	sst s10  }
0x32: {  	s10 =	sld [smem:$0x3FB2];
	_ =	sdelay $0x3  }
0x33: {  	p0 =	seq.s32 s10, $0x1;
	s10 =	sld [smem:$0x3FB4];
	_ =	sdelay $0x3  }
0x34: {  	[smem:$0x3FB4] =	sst s10  }
0x35: {  	s10 =	sld [smem:$0x3FB3];
	_ =	sdelay $0x3  }
0x36: {  	p1 =	seq.s32 s10, $0x1;
	s10 =	sld [smem:$0x3FB4];
	_ =	sdelay $0x3  }
0x37: {  	[smem:$0x3FB4] =	sst s10  }
0x38: {  	s10 =	sld [smem:$0x3FB5]  }
0x39: {  	_ = 	snop;
	(pc) =	sbr.ind lr, $3  }
0x3a: {  	_ = 	snop  }
0x3b: {  	_ = 	snop  }
0x3c: {  	p2 =	seq.s32 s10, $0x1;
	s10 =	sld [smem:$0x3FB4]  }
0x3d: {  	_ =	shalt  }
0x3e: {  	_ =	shalt  }
0x3f: {  	_ =	shalt  }
0x40: {  	_ =	shalt  }
0x41: {  	_ =	shalt  }
0x42: {  	_ =	shalt  }
0x43: {  	_ =	shalt  }
0x44: {  	_ =	shalt  }
0x45: {  	_ =	shalt  }
0x46: {  	_ =	shalt  }
0x47: {  	_ =	shalt  }
0x48: {  	_ =	shalt  }
0x49: {  	_ =	shalt  }
0x4a: {  	_ =	shalt  }
0x4b: {  	_ =	shalt  }
0x4c: {  	_ =	shalt  }
0x4d: {  	_ =	shalt  }
0x4e: {  	_ =	shalt  }
0x4f: {  	_ =	shalt  }
0x50: {  	_ =	shalt  }
0x51: {  	_ =	shalt  }
0x52: {  	_ =	shalt  }
0x53: {  	_ =	shalt  }
0x54: {  	_ =	shalt  }
0x55: {  	_ =	shalt  }
0x56: {  	_ =	shalt  }
0x57: {  	_ =	shalt  }
0x58: {  	_ =	shalt  }
0x59: {  	_ =	shalt  }
0x5a: {  	_ =	shalt  }
0x5b: {  	_ =	shalt  }
0x5c: {  	_ =	shalt  }
0x5d: {  	_ =	shalt  }
0x5e: {  	_ =	shalt  }
0x5f: {  	_ =	shalt  }
0x60: {  	_ =	shalt  }
0x61: {  	_ =	shalt  }
0x62: {  	_ =	shalt  }
0x63: {  	_ =	shalt  }
0x64: {  	_ =	shalt  }
0x65: {  	_ =	shalt  }
0x66: {  	_ =	shalt  }
0x67: {  	_ =	shalt  }
0x68: {  	_ =	shalt  }
0x69: {  	_ =	shalt  }
0x6a: {  	_ =	shalt  }
0x6b: {  	_ =	shalt  }
0x6c: {  	_ =	shalt  }
0x6d: {  	_ =	shalt  }
0x6e: {  	_ =	shalt  }
0x6f: {  	_ =	shalt  }
0x70: {  	_ =	shalt  }
0x71: {  	_ =	shalt  }
0x72: {  	_ =	shalt  }
0x73: {  	_ =	shalt  }
0x74: {  	_ =	shalt  }
0x75: {  	_ =	shalt  }
0x76: {  	_ =	shalt  }
0x77: {  	_ =	shalt  }
0x78: {  	_ =	shalt  }
0x79: {  	_ =	shalt  }
0x7a: {  	_ =	shalt  }
0x7b: {  	_ =	shalt  }
0x7c: {  	_ =	shalt  }
0x7d: {  	_ =	shalt  }
0x7e: {  	_ =	shalt  }
0x7f: {  	_ =	shalt  }
0x80: {  	_ =	shalt  }
0x81: {  	_ =	shalt  }
0x82: {  	_ =	shalt  }
0x83: {  	_ =	shalt  }
0x84: {  	_ =	shalt  }
0x85: {  	_ =	shalt  }
0x86: {  	_ =	shalt  }
0x87: {  	_ =	shalt  }
.Lfunc_end0:
.L_simem_size_0:
called_computation.1_lowered:
.L_overlay_start_0:
0x88: {  	s2 =	sld [smem:$0x3FD9]  }
0x89: {  	s3 =	sld [smem:$0x3FFE];
	_ =	sdelay $0x1  }
0x8a: {  	s1 =	srdreg.scid  }
0x8b: {  	s0 =	sand.u32 $0x1, s1  }
0x8c: {  	s17 =	sshll.u32 s0, $0xA;
	s2 =	sadd.s32 s3, s2  }
0x8d: {  	s2 =	sadd.s32 s2, s17  }
0x8e: {  	[smem:$0x3FC0] =	sst s2  }
0x8f: {  	_ = 	snop  }
0x90: {  	s2 =	sld [smem:$0x3FD0];
	(tm) =	ssettm $0x1  }
0x91: {  	s18 =	sld [smem:$0x3FFB];
	_ =	sdelay $0x3  }
0x92: {  	_ =	strace s18  }
0x93: {  	s3 =	sld [smem:$0x3FFC];
	_ =	sdelay $0x3  }
0x94: {  	_ =	strace s3  }
0x95: {  	s3 =	sld [smem:$0x3FFD];
	_ =	sdelay $0x3  }
0x96: {  	_ =	strace s3  }
0x97: {  	_ =	strace $0x8FFFFFFF  }
0x98: {  	s19 =	sld [smem:$0x3FDB];
	_ =	sdelay $0x1  }
0x99: {  	s4 =	simm.s32 $_scs_section_size  }
0x9a: {  	s5 =	simm.s32 $_size__tile_overlayer_lowered;
	s6 =	simm.s32 $_tile_overlayer_lowered  }
0x9b: {  	s22 =	simm.s32 $0x1BFF;
	s21 =	sshll.u32 s6, $0x1;
	s3 =	sadd.s32 s4, s19  }
0x9c: {  	s7 =	simm.s32 $0x0;
	s20 =	sshll.u32 s5, $0x1;
	s5 =	sadd.s32 s21, s3  }
0x9d: {  	[timem:s7], [sflag:s22] =	dma.local [hbm:s5], s20  }
0x9e: {  	_ =	swait.ge [sflag:s22], s20  }
0x9f: {  	s4 =	ssub.s32 $0x0, s20;
	[sflag:s22] =	ssyncset.done $0x0  }
0xa0: {  	[sflag:s22] =	ssyncadd.s32 s4;
	_ =	sdelay $0x1  }
0xa1: {  	s23 =	simm.s32 $0x1B8B  }
0xa2: {  	_ =	swait.ge [sflag:s23], $0x1  }
0xa3: {  	[sflag:s23] =	ssyncset.done $0x0  }
0xa4: {  	s25 =	simm.s32 $0x1B8E;
	s24 =	sld [smem:$0x3FFE];
	[sflag:s23] =	ssyncadd.s32 $0xFFFFFFFF  }
0xa5: {  	s26 =	simm.s32 $execute0_lowered;
	[smem:$0x3FD2] =	sst s25  }
0xa6: {  	s5 =	sshll.u32 s26, $0x1;
	_ =	strace $0x80000049;
	[dreg:$0x1] =	wrdreg $0xFFFFFFFF  }
0xa7: {  	s28 =	simm.s32 $_size_execute0_lowered;
	s3 =	sadd.s32 s3, s5;
	[dreg:$0x0] =	wrdreg $0x0  }
0xa8: {  	s5 =	sshll.u32 s28, $0x1;
	[dreg:$0x2] =	wrdreg s3  }
0xa9: {  	[dreg:$0x3] =	wrdreg s5  }
0xaa: {  	[dreg:$0x4] =	wrdreg $0xC0  }
0xab: {  	_ =	task [dreg:s7], $0x5FFFF  }
0xac: {  	[dreg:$0x1] =	wrdreg $0xFFFFFFFF  }
0xad: {  	[dreg:$0x0] =	wrdreg $0x60  }
0xae: {  	[dreg:$0x2] =	wrdreg s2  }
0xaf: {  	[dreg:$0x3] =	wrdreg s24  }
0xb0: {  	[dreg:$0x4] =	wrdreg $0x8E800  }
0xb1: {  	[dreg:$0x5] =	wrdreg $0x9  }
0xb2: {  	_ =	task.clear_ibuf [dreg:s7], $0x6FFFF;
	_ =	strace $0x90000049  }
0xb3: {  	s29 =	simm.s32 $0x9;
	_ =	strace $0x8000004B  }
0xb4: {  	_ =	swait.ge [sflag:s29], $0x1  }
0xb5: {  	[sflag:s29] =	ssyncadd.s32 $0xFFFFFFFF  }
0xb6: {  	_ =	strace $0x9000004B  }
0xb7: {  	_ =	sfence  }
0xb8: {  	s30 =	sld [smem:$0x0];
	_ =	sdelay $0x2  }
0xb9: {  	s31 =	sshll.u32 s1, $0xD;
	s1 =	sshrl.u32 s1, $0x2  }
0xba: {  	s3 =	sand.u32 $0x4000, s31;
	s1 =	sadd.s32 s1, s30  }
0xbb: {  	s0 =	sor.u32 s3, s0;
	s1 =	sshll.u32 s1, $0x11  }
0xbc: {  	s0 =	sor.u32 s1, s0  }
0xbd: {  	s0 =	sadd.s32 $0x8F2B, s0  }
0xbe: {  	[sflag:s0] =	ssyncadd.remote.s32 $0x1  }
0xbf: {  	_ =	sfence.sel $0xFFFF  }
0xc0: {  	[dreg:$0x0] =	wrdreg $0xFFFFFFFF;
	(pc) =	sbr.abs _section_cstart, $3  }
0xc1: {  	[dreg:$0x1] =	wrdreg $0xFFFFFFFF  }
0xc2: {  	_ =	task.clear_ibuf [dreg:s7], $0x2FFFF;
	_ =	strace $0x9FFFFFFF  }
0xc3: {  	(tm) =	ssettm $0x7FFFFFFF  }
tec
execute0_lowered:
.L_overlay_start_1:
0x0: {  	(tag) =	ssettag $0x1  }
0x1: {  	s2 =	rddreg [dreg:$0x0]  }
0x2: {  	s1 =	srdreg.scid;
	s7 =	rddreg [dreg:$0x1]  }
0x3: {  	s0 =	stileid.u32;
	s3 =	rddreg [dreg:$0x2];
	s4 =	simm.s32 $0x0  }
0x4: {  	s24 =	simm.s32 $0x2800;
	s25 =	simm.s32 $0x5000;
	s6 =	smul.u32 $0x2800, s0  }
0x5: {  	s26 =	simm.s32 $0x7D;
	s28 =	simm.s32 $0x1;
	s10 =	smul.u32 $0x271, s0  }
0x6: {  	s29 =	simm.s32 $0x0;
	s5 =	sand.u32 $0x1, s1;
	s12 =	smul.u32 $0x4E200, s0  }
0x7: {  	[smem:$0x7FF] =	sst s4;
	s22 =	sadd.s32 $0x1AA00, s7;
	s8 =	smul.u32 $0x28000, s5  }
0x8: {  	_ =	strace $0x8000004A;
	s9 =	smul.u32 $0x2710, s5;
	s5 =	ssub.s32 $0x2, s5  }
0x9: {  	s11 =	sshrl.u32 s5, $0x1;
	s31 =	sshrl.u32 s12, $0x2;
	s8 =	sadd.s32 s6, s8  }
0xa: {  	s6 =	sshrl.u32 s6, $0x3;
	s11 =	ssub.s32 s5, s11;
	s9 =	sadd.s32 s9, s10  }
0xb: {  	s8 =	sshrl.u32 s8, $0x3;
	s6 =	sadd.s32 s6, s7;
	s18 =	sshll.u32 s9, $0x4  }
0xc: {  	s8 =	sadd.s32 s8, s7;
	s6 =	sadd.s32 $0x15A00, s6;
	s7 =	sadd.s32 s31, s3  }
0xd: {  	s9 =	sadd.s32 s2, s18;
	s19 =	sadd.s32 $0x7D0, s18;
	s20 =	sadd.s32 $0xFA0, s18  }
0xe: {  	s21 =	sadd.s32 $0x1770, s18;
	s23 =	sadd.s32 $0x1F40, s18;
	s18 =	sadd.s32 s22, s18  }
0xf: {  	s5 =	sadd.s32 $0xBA00, s8;
	s8 =	smax.u32 s11, $0x1;
	s10 =	sadd.s32 s2, s19  }
0x10: {  	s11 =	sadd.s32 $0x3E80, s7;
	s12 =	sadd.s32 s2, s20;
	s13 =	sadd.s32 $0x7D00, s7  }
0x11: {  	s14 =	sadd.s32 s2, s21;
	s15 =	sadd.s32 $0xBB80, s7;
	s16 =	sadd.s32 s2, s23  }
0x12: {  	s17 =	sadd.s32 $0xFA00, s7;
	s19 =	sadd.s32 s22, s19;
	s20 =	sadd.s32 s22, s20  }
0x13: {  	s21 =	sadd.s32 s22, s21;
	s22 =	sadd.s32 s22, s23;
	s23 =	simm.s32 $0x2  }
.LBB2_1:
0x14: {  	[tilespmem:s4], [sflag:$0x2] =	stream.linear.gather [hbm4b:s5+s4], $0x2800, $0x38;
	[tilespmem:$0x1C700] =	vst v63  }
0x15: {  	_ =	swait.ge [sflag:s23], $0x2800  }
0x16: {  	[sflag:s23] =	ssyncset.done $0x0  }
0x17: {  	[sflag:s23] =	ssyncadd.s32 $0xFFFFD800  }
0x18: {  	[tilespmem:s24], [sflag:$0x2] =	stream.linear.gather [hbm4b:s6+s4], $0x2800, $0x38;
	[tilespmem:$0x1C700] =	vst v63  }
0x19: {  	_ =	swait.ge [sflag:s23], $0x2800  }
0x1a: {  	[sflag:s23] =	ssyncset.done $0x0  }
0x1b: {  	[sflag:s23] =	ssyncadd.s32 $0xFFFFD800  }
0x1c: {  	[tilespmem:s25], [sflag:$0x2] =	stream.linear.gather [hbm4b:s9+s4], $0x3E80, $0x38;
	[tilespmem:$0x1C700] =	vst v63  }
0x1d: {  	_ =	swait.ge [sflag:s23], $0x3E80  }
0x1e: {  	[sflag:s23] =	ssyncset.done $0x0  }
0x1f: {  	[sflag:s23] =	ssyncadd.s32 $0xFFFFC180  }
0x20: {  	[spmem:s7] =	stream.linear.scatter [tilespmem:s25], [sflag:$0x2], $0x3E80, $0x38;
	[tilespmem:$0x1C700] =	vst v63  }
0x21: {  	_ =	swait.ge [sflag:s23], $0x3E80  }
0x22: {  	[sflag:s23] =	ssyncset.done $0x0  }
0x23: {  	[sflag:s23] =	ssyncadd.s32 $0xFFFFC180  }
0x24: {  	[tilespmem:s25], [sflag:$0x2] =	stream.linear.gather [hbm4b:s10+s4], $0x3E80, $0x38;
	[tilespmem:$0x1C700] =	vst v63  }
0x25: {  	_ =	swait.ge [sflag:s23], $0x3E80  }
0x26: {  	[sflag:s23] =	ssyncset.done $0x0  }
0x27: {  	[sflag:s23] =	ssyncadd.s32 $0xFFFFC180  }
0x28: {  	[spmem:s11] =	stream.linear.scatter [tilespmem:s25], [sflag:$0x2], $0x3E80, $0x38;
	[tilespmem:$0x1C700] =	vst v63  }
0x29: {  	_ =	swait.ge [sflag:s23], $0x3E80  }
0x2a: {  	[sflag:s23] =	ssyncset.done $0x0  }
0x2b: {  	[sflag:s23] =	ssyncadd.s32 $0xFFFFC180  }
0x2c: {  	[tilespmem:s25], [sflag:$0x2] =	stream.linear.gather [hbm4b:s12+s4], $0x3E80, $0x38;
	[tilespmem:$0x1C700] =	vst v63  }
0x2d: {  	_ =	swait.ge [sflag:s23], $0x3E80  }
0x2e: {  	[sflag:s23] =	ssyncset.done $0x0  }
0x2f: {  	[sflag:s23] =	ssyncadd.s32 $0xFFFFC180  }
0x30: {  	[spmem:s13] =	stream.linear.scatter [tilespmem:s25], [sflag:$0x2], $0x3E80, $0x38;
	[tilespmem:$0x1C700] =	vst v63  }
0x31: {  	_ =	swait.ge [sflag:s23], $0x3E80  }
0x32: {  	[sflag:s23] =	ssyncset.done $0x0  }
0x33: {  	[sflag:s23] =	ssyncadd.s32 $0xFFFFC180  }
0x34: {  	[tilespmem:s25], [sflag:$0x2] =	stream.linear.gather [hbm4b:s14+s4], $0x3E80, $0x38;
	[tilespmem:$0x1C700] =	vst v63  }
0x35: {  	_ =	swait.ge [sflag:s23], $0x3E80  }
0x36: {  	[sflag:s23] =	ssyncset.done $0x0  }
0x37: {  	[sflag:s23] =	ssyncadd.s32 $0xFFFFC180  }
0x38: {  	[spmem:s15] =	stream.linear.scatter [tilespmem:s25], [sflag:$0x2], $0x3E80, $0x38;
	[tilespmem:$0x1C700] =	vst v63  }
0x39: {  	_ =	swait.ge [sflag:s23], $0x3E80  }
0x3a: {  	[sflag:s23] =	ssyncset.done $0x0  }
0x3b: {  	[sflag:s23] =	ssyncadd.s32 $0xFFFFC180  }
0x3c: {  	[tilespmem:s25], [sflag:$0x2] =	stream.linear.gather [hbm4b:s16+s4], $0x3E80, $0x38;
	[tilespmem:$0x1C700] =	vst v63  }
0x3d: {  	_ =	swait.ge [sflag:s23], $0x3E80  }
0x3e: {  	[sflag:s23] =	ssyncset.done $0x0  }
0x3f: {  	[sflag:s23] =	ssyncadd.s32 $0xFFFFC180  }
0x40: {  	[spmem:s17] =	stream.linear.scatter [tilespmem:s25], [sflag:$0x2], $0x3E80, $0x38;
	[tilespmem:$0x1C700] =	vst v63  }
0x41: {  	_ =	swait.ge [sflag:s23], $0x3E80  }
0x42: {  	[sflag:s23] =	ssyncset.done $0x0  }
0x43: {  	[sflag:s23] =	ssyncadd.s32 $0xFFFFC180  }
0x44: {  	s30 =	simm.s32 $0x0;
	[bflag:$0x0] =	sbarrier.arrive $0xFFFF  }
0x45: {  	[tilespmem:s25], [sflag:$0x1] =	stream.indirect.gather [hbm4b:s2+s26], $0x80, s30, s26, $0xb8;
	[tilespmem:$0x1C700] =	vst v63  }
0x46: {  	_ =	swait.ge [sflag:s28], $0x3E80  }
0x47: {  	[sflag:s28] =	ssyncset.done $0x0  }
0x48: {  	s30 =	simm.s32 $0x2800;
	[sflag:s28] =	ssyncadd.s32 $0xFFFFC180  }
0x49: {  	[spmem:s3] =	stream.indirect.scatter.add.f32 [tilespmem:s25], [sflag:$0x2], $0x80, s30, s26, $0xb8;
	[tilespmem:$0x1C700] =	vst v63  }
0x4a: {  	_ =	swait.ge [sflag:s23], $0x3E80  }
0x4b: {  	s31 =	simm.s32 $0x400;
	s30 =	simm.s32 $0x200;
	[sflag:s23] =	ssyncset.done $0x0  }
.LBB2_2:
0x4c: {  	s1 =	sshra.s32 s30, $0x2  }
0x4d: {  	[sflag:s23] =	ssyncadd.s32 $0xFFFFC180;
	s30 =	smov.u32 s31;
	s0 =	sadd.s32 $0x200, s31  }
0x4e: {  	[tilespmem:s25], [sflag:$0x1] =	stream.indirect.gather [hbm4b:s2+s26], $0x80, s1, s26, $0xb8;
	[tilespmem:$0x1C700] =	vst v63  }
0x4f: {  	p0 =	sne.s32 s31, $0x9E00;
	_ =	swait.ge [sflag:s28], $0x3E80  }
.Ltmp0:
0x50: {  	[sflag:s28] =	ssyncset.done $0x0;
	(pc) =	sbr.rel @p0 .LBB2_2-.Ltmp0, $4  }
0x51: {  	s1 =	sadd.s32 $0x2800, s1;
	[sflag:s28] =	ssyncadd.s32 $0xFFFFC180  }
0x52: {  	[spmem:s3] =	stream.indirect.scatter.add.f32 [tilespmem:s25], [sflag:$0x2], $0x80, s1, s26, $0xb8;
	[tilespmem:$0x1C700] =	vst v63  }
0x53: {  	_ =	swait.ge [sflag:s23], $0x3E80  }
0x54: {  	s31 =	smov.u32 s0;
	[sflag:s23] =	ssyncset.done $0x0  }
0x55: {  	s0 =	sshra.s32 s30, $0x2;
	[sflag:s23] =	ssyncadd.s32 $0xFFFFC180  }
0x56: {  	[tilespmem:s25], [sflag:$0x1] =	stream.indirect.gather [hbm4b:s2+s26], $0x80, s0, s26, $0xb8;
	[tilespmem:$0x1C700] =	vst v63  }
0x57: {  	_ =	swait.ge [sflag:s28], $0x3E80  }
0x58: {  	[sflag:s28] =	ssyncset.done $0x0  }
0x59: {  	s0 =	sadd.s32 $0x2800, s0;
	[sflag:s28] =	ssyncadd.s32 $0xFFFFC180  }
0x5a: {  	[spmem:s3] =	stream.indirect.scatter.add.f32 [tilespmem:s25], [sflag:$0x2], $0x80, s0, s26, $0xb8;
	[tilespmem:$0x1C700] =	vst v63  }
0x5b: {  	_ =	swait.ge [sflag:s23], $0x3E80  }
0x5c: {  	[sflag:s23] =	ssyncset.done $0x0  }
0x5d: {  	[sflag:s23] =	ssyncadd.s32 $0xFFFFC180  }
0x5e: {  	[bflag:$0x0] =	sbarrier.arrive $0xFFFF  }
0x5f: {  	[tilespmem:s25], [sflag:$0x2] =	stream.linear.gather [spmem:s7], $0x3E80, $0x38;
	[tilespmem:$0x1C700] =	vst v63  }
0x60: {  	_ =	swait.ge [sflag:s23], $0x3E80  }
0x61: {  	[sflag:s23] =	ssyncset.done $0x0  }
0x62: {  	[sflag:s23] =	ssyncadd.s32 $0xFFFFC180  }
0x63: {  	[hbm4b:s18+s4] =	stream.linear.scatter [tilespmem:s25], [sflag:$0x2], $0x3E80, $0x38;
	[tilespmem:$0x1C700] =	vst v63  }
0x64: {  	_ =	swait.ge [sflag:s23], $0x3E80  }
0x65: {  	[sflag:s23] =	ssyncset.done $0x0  }
0x66: {  	[sflag:s23] =	ssyncadd.s32 $0xFFFFC180  }
0x67: {  	[tilespmem:s25], [sflag:$0x2] =	stream.linear.gather [spmem:s11], $0x3E80, $0x38;
	[tilespmem:$0x1C700] =	vst v63  }
0x68: {  	_ =	swait.ge [sflag:s23], $0x3E80  }
0x69: {  	[sflag:s23] =	ssyncset.done $0x0  }
0x6a: {  	[sflag:s23] =	ssyncadd.s32 $0xFFFFC180  }
0x6b: {  	[hbm4b:s19+s4] =	stream.linear.scatter [tilespmem:s25], [sflag:$0x2], $0x3E80, $0x38;
	[tilespmem:$0x1C700] =	vst v63  }
0x6c: {  	_ =	swait.ge [sflag:s23], $0x3E80  }
0x6d: {  	[sflag:s23] =	ssyncset.done $0x0  }
0x6e: {  	[sflag:s23] =	ssyncadd.s32 $0xFFFFC180  }
0x6f: {  	[tilespmem:s25], [sflag:$0x2] =	stream.linear.gather [spmem:s13], $0x3E80, $0x38;
	[tilespmem:$0x1C700] =	vst v63  }
0x70: {  	_ =	swait.ge [sflag:s23], $0x3E80  }
0x71: {  	[sflag:s23] =	ssyncset.done $0x0  }
0x72: {  	[sflag:s23] =	ssyncadd.s32 $0xFFFFC180  }
0x73: {  	[hbm4b:s20+s4] =	stream.linear.scatter [tilespmem:s25], [sflag:$0x2], $0x3E80, $0x38;
	[tilespmem:$0x1C700] =	vst v63  }
0x74: {  	_ =	swait.ge [sflag:s23], $0x3E80  }
0x75: {  	[sflag:s23] =	ssyncset.done $0x0  }
0x76: {  	[sflag:s23] =	ssyncadd.s32 $0xFFFFC180  }
0x77: {  	[tilespmem:s25], [sflag:$0x2] =	stream.linear.gather [spmem:s15], $0x3E80, $0x38;
	[tilespmem:$0x1C700] =	vst v63  }
0x78: {  	_ =	swait.ge [sflag:s23], $0x3E80  }
0x79: {  	[sflag:s23] =	ssyncset.done $0x0  }
0x7a: {  	[sflag:s23] =	ssyncadd.s32 $0xFFFFC180  }
0x7b: {  	[hbm4b:s21+s4] =	stream.linear.scatter [tilespmem:s25], [sflag:$0x2], $0x3E80, $0x38;
	[tilespmem:$0x1C700] =	vst v63  }
0x7c: {  	_ =	swait.ge [sflag:s23], $0x3E80  }
0x7d: {  	[sflag:s23] =	ssyncset.done $0x0  }
0x7e: {  	[sflag:s23] =	ssyncadd.s32 $0xFFFFC180  }
0x7f: {  	[tilespmem:s25], [sflag:$0x2] =	stream.linear.gather [spmem:s17], $0x3E80, $0x38;
	[tilespmem:$0x1C700] =	vst v63  }
0x80: {  	s29 =	sadd.s32 $0x1, s29;
	_ =	swait.ge [sflag:s23], $0x3E80  }
0x81: {  	p0 =	sne.s32 s29, s8;
	[sflag:s23] =	ssyncset.done $0x0  }
.Ltmp1:
0x82: {  	[sflag:s23] =	ssyncadd.s32 $0xFFFFC180;
	(pc) =	sbr.rel @p0 .LBB2_1-.Ltmp1, $4  }
0x83: {  	[hbm4b:s22+s4] =	stream.linear.scatter [tilespmem:s25], [sflag:$0x2], $0x3E80, $0x38;
	[tilespmem:$0x1C700] =	vst v63  }
0x84: {  	_ =	swait.ge [sflag:s23], $0x3E80  }
0x85: {  	[sflag:s23] =	ssyncset.done $0x0  }
0x86: {  	[sflag:s23] =	ssyncadd.s32 $0xFFFFC180  }
0x87: {  	_ =	sfence.sel $0x180000  }
0x88: {  	[bflag:$0x0] =	sbarrier.arrive $0xFFFF  }
0x89: {  	_ =	strace $0x9000004A  }
0x8a: {  	s0 =	stileid.u32;
	[bflag:$0x2] =	sbarrier.arrive $0xFFFF  }
0x8b: {  	p0 =	sne.s32 s0, $0x0;
	s0 =	rddreg [dreg:$0x3]  }
0x8c: {  	s0 =	sadd.s32 @!p0 $0x100000, s0  }
0x8d: {  	[sflag:s0] =	ssyncadd.tile.s32 @!p0 $0x1;
	_ =	shalt  }
.Lfunc_end2:
_tile_overlayer_lowered:
.L_overlay_start_2:
0x8e: {  	(tag) =	ssettag $0x2  }
0x8f: {  	s0 =	rddreg [dreg:$0x0];
	s2 =	stileid.u32  }
0x90: {  	s1 =	rddreg [dreg:$0x1];
	p0 =	sne.s32 s2, $0x0  }
0x91: {  	s3 =	rddreg [dreg:$0x2];
	[bflag:$0x3] =	sbarrier.arrive $0xFFFF;
	s2 =	simm.s32 @!p0 $0x1C02  }
0x92: {  	[timem:s3], [sflag:s2] =	dma.local @!p0 [hbm:s0], s1  }
0x93: {  	s0 =	simm.s32 @!p0 $0x2  }
0x94: {  	_ =	swait.ge @!p0 [sflag:s0], s1  }
0x95: {  	s1 =	ssub.s32 @!p0 $0x0, s1;
	[sflag:s0] =	ssyncset.done @!p0 $0x0  }
0x96: {  	[sflag:s0] =	ssyncadd.s32 @!p0 s1  }
0x97: {  	[bflag:$0x3] =	sbarrier.arrive $0xFFFF  }
0x98: {  	_ =	shalt  }

// kernel: kernel.16.cloned.1.call-start
scs
__scs_entry_jumppad:
0x0: {  	(pc) =	sbr.rel $0x88, $3  }
0x1: {  	(tag) =	ssettag $0x0;
	lr =	simm.s32 $0x1  }
0x2: {  	[smem:$0x3F99] =	sst lr;
	_ =	strace $0xD0000000  }
0x3: {  	_ = 	snop  }
0x4: {  	_ = 	snop  }
0x5: {  	_ = 	snop  }
0x6: {  	_ = 	snop  }
0x7: {  	_ = 	snop  }
__scs_overlays_trampoline_lowered:
0x8: {  	[smem:$0x3FA8] =	sst s0  }
0x9: {  	[smem:$0x3FA9] =	sst s1  }
0xa: {  	[smem:$0x3FAA] =	sst s2  }
0xb: {  	[smem:$0x3FAB] =	sst s3  }
0xc: {  	[smem:$0x3FAC] =	sst s4  }
0xd: {  	[smem:$0x3FAD] =	sst s5  }
0xe: {  	[smem:$0x3FAE] =	sst s6  }
0xf: {  	[smem:$0x3FAF] =	sst s7  }
0x10: {  	[smem:$0x3FB0] =	sst s8  }
0x11: {  	[smem:$0x3FB1] =	sst s9;
	s0 =	simm.s32 @!p0 $0x0  }
0x12: {  	s1 =	sld [smem:$0x3F97];
	s0 =	simm.s32 @p0 $0x1  }
0x13: {  	[smem:$0x3FB2] =	sst s0;
	s0 =	simm.s32 @!p1 $0x0  }
0x14: {  	s2 =	sld [smem:$0x3F96];
	s0 =	simm.s32 @p1 $0x1  }
0x15: {  	[smem:$0x3FB3] =	sst s0;
	s0 =	simm.s32 @!p2 $0x0  }
0x16: {  	s3 =	sld [smem:$0x3FDB];
	s0 =	simm.s32 @p2 $0x1  }
0x17: {  	s4 =	simm.s32 $0x1BF5;
	[smem:$0x3FB5] =	sst s0  }
0x18: {  	s0 =	sld [smem:$0x3F98];
	_ =	swait.ge [sflag:s4], $0x0  }
0x19: {  	s7 =	sld [smem:$0x3F99]  }
0x1a: {  	s8 =	sadd.s32 $0xFFFFE003, lr  }
0x1b: {  	s9 =	sadd.s32 $0xFFFFFEF7, lr;
	s5 =	simm.s32 $0xFFFFFFFF;
	p2 =	slt.u32 s8, $0xFFFFF086  }
0x1c: {  	p1 =	slt.u32 s9, $0xF7A;
	s5 =	simm.s32 @!p2 $0x0  }
0x1d: {  	s5 =	simm.s32 @p1 $0x1;
	p0 =	seq.s32 s7, s2  }
0x1e: {  	s7 =	smul.u32 @!p0 $0xF7A, s2;
	p2 =	seq.s32 @!p0 s5, $0x0  }
0x1f: {  	s9 =	smul.u32 $0xF7A, s1;
	s8 =	simm.s32 @!p0 $0x1BF5;
	p2 =	por !p2, p0  }
0x20: {  	[sflag:s8] =	ssyncset.s32 @!p0 $0xFFFFF086;
	s6 =	sadd.s32 @!p0 s3, s7;
	s7 =	simm.s32 @!p0 $0x108  }
0x21: {  	s3 =	sadd.s32 s3, s9;
	s6 =	sadd.s32 @!p0 $0x88, s6;
	s7 =	simm.s32 @p2 $0x1082  }
0x22: {  	[simem:s7], [sflag:s8] =	dma.local @!p0 [hbm:s6], $0xF7A  }
0x23: {  	s9 =	sor.u32 $0xD0000000, s2;
	s6 =	simm.s32 $0x108;
	_ =	swait.ge @!p0 [sflag:s8], $0x0  }
0x24: {  	s3 =	sadd.s32 $0x88, s3;
	s6 =	simm.s32 @!p1 $0x1082;
	[sflag:s4] =	ssyncset.s32 $0xFFFFF086  }
0x25: {  	[simem:s6], [sflag:s4] =	dma.local [hbm:s3], $0xF7A  }
0x26: {  	[smem:$0x3F99] =	sst s1;
	(tag) =	ssettag s2;
	_ =	strace s9  }
0x27: {  	s1 =	sld [smem:$0x3FA9]  }
0x28: {  	s2 =	sld [smem:$0x3FAA]  }
0x29: {  	s4 =	sld [smem:$0x3FAC]  }
0x2a: {  	p0 =	seq.s32 s5, $0x0;
	s5 =	sld [smem:$0x3FAD]  }
0x2b: {  	s6 =	sld [smem:$0x3FAE]  }
0x2c: {  	s7 =	sld [smem:$0x3FAF]  }
0x2d: {  	s3 =	simm.s32 $0x108;
	s8 =	sld [smem:$0x3FB0]  }
0x2e: {  	s3 =	simm.s32 @!p0 $0x1082;
	s9 =	sld [smem:$0x3FB1]  }
0x2f: {  	lr =	sadd.s32 s0, s3;
	s0 =	sld [smem:$0x3FA8]  }
0x30: {  	s3 =	sld [smem:$0x3FAB]  }
0x31: {  	[smem:$0x3FB4] =	sst s10  }
0x32: {  	s10 =	sld [smem:$0x3FB2];
	_ =	sdelay $0x3  }
0x33: {  	p0 =	seq.s32 s10, $0x1;
	s10 =	sld [smem:$0x3FB4];
	_ =	sdelay $0x3  }
0x34: {  	[smem:$0x3FB4] =	sst s10  }
0x35: {  	s10 =	sld [smem:$0x3FB3];
	_ =	sdelay $0x3  }
0x36: {  	p1 =	seq.s32 s10, $0x1;
	s10 =	sld [smem:$0x3FB4];
	_ =	sdelay $0x3  }
0x37: {  	[smem:$0x3FB4] =	sst s10  }
0x38: {  	s10 =	sld [smem:$0x3FB5]  }
0x39: {  	_ = 	snop;
	(pc) =	sbr.ind lr, $3  }
0x3a: {  	_ = 	snop  }
0x3b: {  	_ = 	snop  }
0x3c: {  	p2 =	seq.s32 s10, $0x1;
	s10 =	sld [smem:$0x3FB4]  }
0x3d: {  	_ =	shalt  }
0x3e: {  	_ =	shalt  }
0x3f: {  	_ =	shalt  }
0x40: {  	_ =	shalt  }
0x41: {  	_ =	shalt  }
0x42: {  	_ =	shalt  }
0x43: {  	_ =	shalt  }
0x44: {  	_ =	shalt  }
0x45: {  	_ =	shalt  }
0x46: {  	_ =	shalt  }
0x47: {  	_ =	shalt  }
0x48: {  	_ =	shalt  }
0x49: {  	_ =	shalt  }
0x4a: {  	_ =	shalt  }
0x4b: {  	_ =	shalt  }
0x4c: {  	_ =	shalt  }
0x4d: {  	_ =	shalt  }
0x4e: {  	_ =	shalt  }
0x4f: {  	_ =	shalt  }
0x50: {  	_ =	shalt  }
0x51: {  	_ =	shalt  }
0x52: {  	_ =	shalt  }
0x53: {  	_ =	shalt  }
0x54: {  	_ =	shalt  }
0x55: {  	_ =	shalt  }
0x56: {  	_ =	shalt  }
0x57: {  	_ =	shalt  }
0x58: {  	_ =	shalt  }
0x59: {  	_ =	shalt  }
0x5a: {  	_ =	shalt  }
0x5b: {  	_ =	shalt  }
0x5c: {  	_ =	shalt  }
0x5d: {  	_ =	shalt  }
0x5e: {  	_ =	shalt  }
0x5f: {  	_ =	shalt  }
0x60: {  	_ =	shalt  }
0x61: {  	_ =	shalt  }
0x62: {  	_ =	shalt  }
0x63: {  	_ =	shalt  }
0x64: {  	_ =	shalt  }
0x65: {  	_ =	shalt  }
0x66: {  	_ =	shalt  }
0x67: {  	_ =	shalt  }
0x68: {  	_ =	shalt  }
0x69: {  	_ =	shalt  }
0x6a: {  	_ =	shalt  }
0x6b: {  	_ =	shalt  }
0x6c: {  	_ =	shalt  }
0x6d: {  	_ =	shalt  }
0x6e: {  	_ =	shalt  }
0x6f: {  	_ =	shalt  }
0x70: {  	_ =	shalt  }
0x71: {  	_ =	shalt  }
0x72: {  	_ =	shalt  }
0x73: {  	_ =	shalt  }
0x74: {  	_ =	shalt  }
0x75: {  	_ =	shalt  }
0x76: {  	_ =	shalt  }
0x77: {  	_ =	shalt  }
0x78: {  	_ =	shalt  }
0x79: {  	_ =	shalt  }
0x7a: {  	_ =	shalt  }
0x7b: {  	_ =	shalt  }
0x7c: {  	_ =	shalt  }
0x7d: {  	_ =	shalt  }
0x7e: {  	_ =	shalt  }
0x7f: {  	_ =	shalt  }
0x80: {  	_ =	shalt  }
0x81: {  	_ =	shalt  }
0x82: {  	_ =	shalt  }
0x83: {  	_ =	shalt  }
0x84: {  	_ =	shalt  }
0x85: {  	_ =	shalt  }
0x86: {  	_ =	shalt  }
0x87: {  	_ =	shalt  }
.Lfunc_end0:
.L_simem_size_0:
called_computation.2_lowered:
.L_overlay_start_0:
0x88: {  	s2 =	sld [smem:$0x3FD9]  }
0x89: {  	s3 =	sld [smem:$0x3FFE];
	_ =	sdelay $0x1  }
0x8a: {  	s1 =	srdreg.scid  }
0x8b: {  	s0 =	sand.u32 $0x1, s1  }
0x8c: {  	s17 =	sshll.u32 s0, $0xA;
	s2 =	sadd.s32 s3, s2  }
0x8d: {  	s2 =	sadd.s32 s2, s17  }
0x8e: {  	[smem:$0x3FC0] =	sst s2  }
0x8f: {  	_ = 	snop  }
0x90: {  	s2 =	sld [smem:$0x3FD0];
	(tm) =	ssettm $0x1  }
0x91: {  	s18 =	sld [smem:$0x3FFB];
	_ =	sdelay $0x3  }
0x92: {  	_ =	strace s18  }
0x93: {  	s3 =	sld [smem:$0x3FFC];
	_ =	sdelay $0x3  }
0x94: {  	_ =	strace s3  }
0x95: {  	s3 =	sld [smem:$0x3FFD];
	_ =	sdelay $0x3  }
0x96: {  	_ =	strace s3  }
0x97: {  	_ =	strace $0x8FFFFFFF  }
0x98: {  	s19 =	sld [smem:$0x3FDB];
	_ =	sdelay $0x1  }
0x99: {  	s4 =	simm.s32 $_scs_section_size  }
0x9a: {  	s5 =	simm.s32 $_size__tile_overlayer_lowered;
	s6 =	simm.s32 $_tile_overlayer_lowered  }
0x9b: {  	s22 =	simm.s32 $0x1BFF;
	s21 =	sshll.u32 s6, $0x1;
	s3 =	sadd.s32 s4, s19  }
0x9c: {  	s7 =	simm.s32 $0x0;
	s20 =	sshll.u32 s5, $0x1;
	s5 =	sadd.s32 s21, s3  }
0x9d: {  	[timem:s7], [sflag:s22] =	dma.local [hbm:s5], s20  }
0x9e: {  	_ =	swait.ge [sflag:s22], s20  }
0x9f: {  	s4 =	ssub.s32 $0x0, s20;
	[sflag:s22] =	ssyncset.done $0x0  }
0xa0: {  	[sflag:s22] =	ssyncadd.s32 s4;
	_ =	sdelay $0x1  }
0xa1: {  	s23 =	simm.s32 $0x1B8B  }
0xa2: {  	_ =	swait.ge [sflag:s23], $0x1  }
0xa3: {  	[sflag:s23] =	ssyncset.done $0x0  }
0xa4: {  	s25 =	simm.s32 $0x1B8E;
	s24 =	sld [smem:$0x3FFE];
	[sflag:s23] =	ssyncadd.s32 $0xFFFFFFFF  }
0xa5: {  	s26 =	simm.s32 $execute0_lowered;
	[smem:$0x3FD2] =	sst s25  }
0xa6: {  	s5 =	sshll.u32 s26, $0x1;
	_ =	strace $0x8000004C;
	[dreg:$0x1] =	wrdreg $0xFFFFFFFF  }
0xa7: {  	s28 =	simm.s32 $_size_execute0_lowered;
	s3 =	sadd.s32 s3, s5;
	[dreg:$0x0] =	wrdreg $0x0  }
0xa8: {  	s5 =	sshll.u32 s28, $0x1;
	[dreg:$0x2] =	wrdreg s3  }
0xa9: {  	[dreg:$0x3] =	wrdreg s5  }
0xaa: {  	[dreg:$0x4] =	wrdreg $0xC0  }
0xab: {  	_ =	task [dreg:s7], $0x5FFFF  }
0xac: {  	[dreg:$0x1] =	wrdreg $0xFFFFFFFF  }
0xad: {  	[dreg:$0x0] =	wrdreg $0x60  }
0xae: {  	[dreg:$0x2] =	wrdreg s2  }
0xaf: {  	[dreg:$0x3] =	wrdreg s24  }
0xb0: {  	[dreg:$0x4] =	wrdreg $0x6F400  }
0xb1: {  	[dreg:$0x5] =	wrdreg $0x9  }
0xb2: {  	_ =	task.clear_ibuf [dreg:s7], $0x6FFFF;
	_ =	strace $0x9000004C  }
0xb3: {  	s29 =	simm.s32 $0x9;
	_ =	strace $0x8000004E  }
0xb4: {  	_ =	swait.ge [sflag:s29], $0x1  }
0xb5: {  	[sflag:s29] =	ssyncadd.s32 $0xFFFFFFFF  }
0xb6: {  	_ =	strace $0x9000004E  }
0xb7: {  	_ =	sfence  }
0xb8: {  	s30 =	sld [smem:$0x0];
	_ =	sdelay $0x2  }
0xb9: {  	s31 =	sshll.u32 s1, $0xD;
	s1 =	sshrl.u32 s1, $0x2  }
0xba: {  	s3 =	sand.u32 $0x4000, s31;
	s1 =	sadd.s32 s1, s30  }
0xbb: {  	s0 =	sor.u32 s3, s0;
	s1 =	sshll.u32 s1, $0x11  }
0xbc: {  	s0 =	sor.u32 s1, s0  }
0xbd: {  	s0 =	sadd.s32 $0x8F2B, s0  }
0xbe: {  	[sflag:s0] =	ssyncadd.remote.s32 $0x1  }
0xbf: {  	_ =	sfence.sel $0xFFFF  }
0xc0: {  	[dreg:$0x0] =	wrdreg $0xFFFFFFFF;
	(pc) =	sbr.abs _section_cstart, $3  }
0xc1: {  	[dreg:$0x1] =	wrdreg $0xFFFFFFFF  }
0xc2: {  	_ =	task.clear_ibuf [dreg:s7], $0x2FFFF;
	_ =	strace $0x9FFFFFFF  }
0xc3: {  	(tm) =	ssettm $0x7FFFFFFF  }
tec
execute0_lowered:
.L_overlay_start_1:
0x0: {  	(tag) =	ssettag $0x1  }
0x1: {  	s2 =	rddreg [dreg:$0x0]  }
0x2: {  	s1 =	srdreg.scid;
	s7 =	rddreg [dreg:$0x1]  }
0x3: {  	s0 =	stileid.u32;
	s3 =	rddreg [dreg:$0x2];
	s4 =	simm.s32 $0x0  }
0x4: {  	s24 =	simm.s32 $0x2800;
	s25 =	simm.s32 $0x5000;
	s6 =	smul.u32 $0x2800, s0  }
0x5: {  	s26 =	simm.s32 $0x7D;
	s28 =	simm.s32 $0x1;
	s10 =	smul.u32 $0x271, s0  }
0x6: {  	s29 =	simm.s32 $0x0;
	s5 =	sand.u32 $0x1, s1;
	s12 =	smul.u32 $0x27100, s0  }
0x7: {  	[smem:$0x7FF] =	sst s4;
	s22 =	sadd.s32 $0x1AA00, s7;
	s8 =	smul.u32 $0x28000, s5  }
0x8: {  	_ =	strace $0x8000004D;
	s9 =	smul.u32 $0x2710, s5;
	s5 =	ssub.s32 $0x2, s5  }
0x9: {  	s11 =	sshrl.u32 s5, $0x1;
	s31 =	sshrl.u32 s12, $0x2;
	s8 =	sadd.s32 s6, s8  }
0xa: {  	s6 =	sshrl.u32 s6, $0x3;
	s11 =	ssub.s32 s5, s11;
	s9 =	sadd.s32 s9, s10  }
0xb: {  	s8 =	sshrl.u32 s8, $0x3;
	s6 =	sadd.s32 s6, s7;
	s18 =	sshll.u32 s9, $0x3  }
0xc: {  	s8 =	sadd.s32 s8, s7;
	s6 =	sadd.s32 $0x15A00, s6;
	s7 =	sadd.s32 s31, s3  }
0xd: {  	s9 =	sadd.s32 s2, s18;
	s19 =	sadd.s32 $0x3E8, s18;
	s20 =	sadd.s32 $0x7D0, s18  }
0xe: {  	s21 =	sadd.s32 $0xBB8, s18;
	s23 =	sadd.s32 $0xFA0, s18;
	s18 =	sadd.s32 s22, s18  }
0xf: {  	s5 =	sadd.s32 $0xBA00, s8;
	s8 =	smax.u32 s11, $0x1;
	s10 =	sadd.s32 s2, s19  }
0x10: {  	s11 =	sadd.s32 $0x1F40, s7;
	s12 =	sadd.s32 s2, s20;
	s13 =	sadd.s32 $0x3E80, s7  }
0x11: {  	s14 =	sadd.s32 s2, s21;
	s15 =	sadd.s32 $0x5DC0, s7;
	s16 =	sadd.s32 s2, s23  }
0x12: {  	s17 =	sadd.s32 $0x7D00, s7;
	s19 =	sadd.s32 s22, s19;
	s20 =	sadd.s32 s22, s20  }
0x13: {  	s21 =	sadd.s32 s22, s21;
	s22 =	sadd.s32 s22, s23;
	s23 =	simm.s32 $0x2  }
.LBB2_1:
0x14: {  	[tilespmem:s4], [sflag:$0x2] =	stream.linear.gather [hbm4b:s5+s4], $0x2800, $0x38;
	[tilespmem:$0x10B80] =	vst v63  }
0x15: {  	_ =	swait.ge [sflag:s23], $0x2800  }
0x16: {  	[sflag:s23] =	ssyncset.done $0x0  }
0x17: {  	[sflag:s23] =	ssyncadd.s32 $0xFFFFD800  }
0x18: {  	[tilespmem:s24], [sflag:$0x2] =	stream.linear.gather [hbm4b:s6+s4], $0x2800, $0x38;
	[tilespmem:$0x10B80] =	vst v63  }
0x19: {  	_ =	swait.ge [sflag:s23], $0x2800  }
0x1a: {  	[sflag:s23] =	ssyncset.done $0x0  }
0x1b: {  	[sflag:s23] =	ssyncadd.s32 $0xFFFFD800  }
0x1c: {  	[tilespmem:s25], [sflag:$0x2] =	stream.linear.gather [hbm4b:s9+s4], $0x1F40, $0x38;
	[tilespmem:$0x10B80] =	vst v63  }
0x1d: {  	_ =	swait.ge [sflag:s23], $0x1F40  }
0x1e: {  	[sflag:s23] =	ssyncset.done $0x0  }
0x1f: {  	[sflag:s23] =	ssyncadd.s32 $0xFFFFE0C0  }
0x20: {  	[spmem:s7] =	stream.linear.scatter [tilespmem:s25], [sflag:$0x2], $0x1F40, $0x38;
	[tilespmem:$0x10B80] =	vst v63  }
0x21: {  	_ =	swait.ge [sflag:s23], $0x1F40  }
0x22: {  	[sflag:s23] =	ssyncset.done $0x0  }
0x23: {  	[sflag:s23] =	ssyncadd.s32 $0xFFFFE0C0  }
0x24: {  	[tilespmem:s25], [sflag:$0x2] =	stream.linear.gather [hbm4b:s10+s4], $0x1F40, $0x38;
	[tilespmem:$0x10B80] =	vst v63  }
0x25: {  	_ =	swait.ge [sflag:s23], $0x1F40  }
0x26: {  	[sflag:s23] =	ssyncset.done $0x0  }
0x27: {  	[sflag:s23] =	ssyncadd.s32 $0xFFFFE0C0  }
0x28: {  	[spmem:s11] =	stream.linear.scatter [tilespmem:s25], [sflag:$0x2], $0x1F40, $0x38;
	[tilespmem:$0x10B80] =	vst v63  }
0x29: {  	_ =	swait.ge [sflag:s23], $0x1F40  }
0x2a: {  	[sflag:s23] =	ssyncset.done $0x0  }
0x2b: {  	[sflag:s23] =	ssyncadd.s32 $0xFFFFE0C0  }
0x2c: {  	[tilespmem:s25], [sflag:$0x2] =	stream.linear.gather [hbm4b:s12+s4], $0x1F40, $0x38;
	[tilespmem:$0x10B80] =	vst v63  }
0x2d: {  	_ =	swait.ge [sflag:s23], $0x1F40  }
0x2e: {  	[sflag:s23] =	ssyncset.done $0x0  }
0x2f: {  	[sflag:s23] =	ssyncadd.s32 $0xFFFFE0C0  }
0x30: {  	[spmem:s13] =	stream.linear.scatter [tilespmem:s25], [sflag:$0x2], $0x1F40, $0x38;
	[tilespmem:$0x10B80] =	vst v63  }
0x31: {  	_ =	swait.ge [sflag:s23], $0x1F40  }
0x32: {  	[sflag:s23] =	ssyncset.done $0x0  }
0x33: {  	[sflag:s23] =	ssyncadd.s32 $0xFFFFE0C0  }
0x34: {  	[tilespmem:s25], [sflag:$0x2] =	stream.linear.gather [hbm4b:s14+s4], $0x1F40, $0x38;
	[tilespmem:$0x10B80] =	vst v63  }
0x35: {  	_ =	swait.ge [sflag:s23], $0x1F40  }
0x36: {  	[sflag:s23] =	ssyncset.done $0x0  }
0x37: {  	[sflag:s23] =	ssyncadd.s32 $0xFFFFE0C0  }
0x38: {  	[spmem:s15] =	stream.linear.scatter [tilespmem:s25], [sflag:$0x2], $0x1F40, $0x38;
	[tilespmem:$0x10B80] =	vst v63  }
0x39: {  	_ =	swait.ge [sflag:s23], $0x1F40  }
0x3a: {  	[sflag:s23] =	ssyncset.done $0x0  }
0x3b: {  	[sflag:s23] =	ssyncadd.s32 $0xFFFFE0C0  }
0x3c: {  	[tilespmem:s25], [sflag:$0x2] =	stream.linear.gather [hbm4b:s16+s4], $0x1F40, $0x38;
	[tilespmem:$0x10B80] =	vst v63  }
0x3d: {  	_ =	swait.ge [sflag:s23], $0x1F40  }
0x3e: {  	[sflag:s23] =	ssyncset.done $0x0  }
0x3f: {  	[sflag:s23] =	ssyncadd.s32 $0xFFFFE0C0  }
0x40: {  	[spmem:s17] =	stream.linear.scatter [tilespmem:s25], [sflag:$0x2], $0x1F40, $0x38;
	[tilespmem:$0x10B80] =	vst v63  }
0x41: {  	_ =	swait.ge [sflag:s23], $0x1F40  }
0x42: {  	[sflag:s23] =	ssyncset.done $0x0  }
0x43: {  	[sflag:s23] =	ssyncadd.s32 $0xFFFFE0C0  }
0x44: {  	s30 =	simm.s32 $0x0;
	[bflag:$0x0] =	sbarrier.arrive $0xFFFF  }
0x45: {  	[tilespmem:s25], [sflag:$0x1] =	stream.indirect.gather [hbm4b:s2+s26], $0x40, s30, s26, $0xb8;
	[tilespmem:$0x10B80] =	vst v63  }
0x46: {  	_ =	swait.ge [sflag:s28], $0x1F40  }
0x47: {  	[sflag:s28] =	ssyncset.done $0x0  }
0x48: {  	s30 =	simm.s32 $0x2800;
	[sflag:s28] =	ssyncadd.s32 $0xFFFFE0C0  }
0x49: {  	[spmem:s3] =	stream.indirect.scatter.add.f32 [tilespmem:s25], [sflag:$0x2], $0x40, s30, s26, $0xb8;
	[tilespmem:$0x10B80] =	vst v63  }
0x4a: {  	_ =	swait.ge [sflag:s23], $0x1F40  }
0x4b: {  	s31 =	simm.s32 $0x400;
	s30 =	simm.s32 $0x200;
	[sflag:s23] =	ssyncset.done $0x0  }
.LBB2_2:
0x4c: {  	s1 =	sshra.s32 s30, $0x2  }
0x4d: {  	[sflag:s23] =	ssyncadd.s32 $0xFFFFE0C0;
	s30 =	smov.u32 s31;
	s0 =	sadd.s32 $0x200, s31  }
0x4e: {  	[tilespmem:s25], [sflag:$0x1] =	stream.indirect.gather [hbm4b:s2+s26], $0x40, s1, s26, $0xb8;
	[tilespmem:$0x10B80] =	vst v63  }
0x4f: {  	p0 =	sne.s32 s31, $0x9E00;
	_ =	swait.ge [sflag:s28], $0x1F40  }
.Ltmp0:
0x50: {  	[sflag:s28] =	ssyncset.done $0x0;
	(pc) =	sbr.rel @p0 .LBB2_2-.Ltmp0, $4  }
0x51: {  	s1 =	sadd.s32 $0x2800, s1;
	[sflag:s28] =	ssyncadd.s32 $0xFFFFE0C0  }
0x52: {  	[spmem:s3] =	stream.indirect.scatter.add.f32 [tilespmem:s25], [sflag:$0x2], $0x40, s1, s26, $0xb8;
	[tilespmem:$0x10B80] =	vst v63  }
0x53: {  	_ =	swait.ge [sflag:s23], $0x1F40  }
0x54: {  	s31 =	smov.u32 s0;
	[sflag:s23] =	ssyncset.done $0x0  }
0x55: {  	s0 =	sshra.s32 s30, $0x2;
	[sflag:s23] =	ssyncadd.s32 $0xFFFFE0C0  }
0x56: {  	[tilespmem:s25], [sflag:$0x1] =	stream.indirect.gather [hbm4b:s2+s26], $0x40, s0, s26, $0xb8;
	[tilespmem:$0x10B80] =	vst v63  }
0x57: {  	_ =	swait.ge [sflag:s28], $0x1F40  }
0x58: {  	[sflag:s28] =	ssyncset.done $0x0  }
0x59: {  	s0 =	sadd.s32 $0x2800, s0;
	[sflag:s28] =	ssyncadd.s32 $0xFFFFE0C0  }
0x5a: {  	[spmem:s3] =	stream.indirect.scatter.add.f32 [tilespmem:s25], [sflag:$0x2], $0x40, s0, s26, $0xb8;
	[tilespmem:$0x10B80] =	vst v63  }
0x5b: {  	_ =	swait.ge [sflag:s23], $0x1F40  }
0x5c: {  	[sflag:s23] =	ssyncset.done $0x0  }
0x5d: {  	[sflag:s23] =	ssyncadd.s32 $0xFFFFE0C0  }
0x5e: {  	[bflag:$0x0] =	sbarrier.arrive $0xFFFF  }
0x5f: {  	[tilespmem:s25], [sflag:$0x2] =	stream.linear.gather [spmem:s7], $0x1F40, $0x38;
	[tilespmem:$0x10B80] =	vst v63  }
0x60: {  	_ =	swait.ge [sflag:s23], $0x1F40  }
0x61: {  	[sflag:s23] =	ssyncset.done $0x0  }
0x62: {  	[sflag:s23] =	ssyncadd.s32 $0xFFFFE0C0  }
0x63: {  	[hbm4b:s18+s4] =	stream.linear.scatter [tilespmem:s25], [sflag:$0x2], $0x1F40, $0x38;
	[tilespmem:$0x10B80] =	vst v63  }
0x64: {  	_ =	swait.ge [sflag:s23], $0x1F40  }
0x65: {  	[sflag:s23] =	ssyncset.done $0x0  }
0x66: {  	[sflag:s23] =	ssyncadd.s32 $0xFFFFE0C0  }
0x67: {  	[tilespmem:s25], [sflag:$0x2] =	stream.linear.gather [spmem:s11], $0x1F40, $0x38;
	[tilespmem:$0x10B80] =	vst v63  }
0x68: {  	_ =	swait.ge [sflag:s23], $0x1F40  }
0x69: {  	[sflag:s23] =	ssyncset.done $0x0  }
0x6a: {  	[sflag:s23] =	ssyncadd.s32 $0xFFFFE0C0  }
0x6b: {  	[hbm4b:s19+s4] =	stream.linear.scatter [tilespmem:s25], [sflag:$0x2], $0x1F40, $0x38;
	[tilespmem:$0x10B80] =	vst v63  }
0x6c: {  	_ =	swait.ge [sflag:s23], $0x1F40  }
0x6d: {  	[sflag:s23] =	ssyncset.done $0x0  }
0x6e: {  	[sflag:s23] =	ssyncadd.s32 $0xFFFFE0C0  }
0x6f: {  	[tilespmem:s25], [sflag:$0x2] =	stream.linear.gather [spmem:s13], $0x1F40, $0x38;
	[tilespmem:$0x10B80] =	vst v63  }
0x70: {  	_ =	swait.ge [sflag:s23], $0x1F40  }
0x71: {  	[sflag:s23] =	ssyncset.done $0x0  }
0x72: {  	[sflag:s23] =	ssyncadd.s32 $0xFFFFE0C0  }
0x73: {  	[hbm4b:s20+s4] =	stream.linear.scatter [tilespmem:s25], [sflag:$0x2], $0x1F40, $0x38;
	[tilespmem:$0x10B80] =	vst v63  }
0x74: {  	_ =	swait.ge [sflag:s23], $0x1F40  }
0x75: {  	[sflag:s23] =	ssyncset.done $0x0  }
0x76: {  	[sflag:s23] =	ssyncadd.s32 $0xFFFFE0C0  }
0x77: {  	[tilespmem:s25], [sflag:$0x2] =	stream.linear.gather [spmem:s15], $0x1F40, $0x38;
	[tilespmem:$0x10B80] =	vst v63  }
0x78: {  	_ =	swait.ge [sflag:s23], $0x1F40  }
0x79: {  	[sflag:s23] =	ssyncset.done $0x0  }
0x7a: {  	[sflag:s23] =	ssyncadd.s32 $0xFFFFE0C0  }
0x7b: {  	[hbm4b:s21+s4] =	stream.linear.scatter [tilespmem:s25], [sflag:$0x2], $0x1F40, $0x38;
	[tilespmem:$0x10B80] =	vst v63  }
0x7c: {  	_ =	swait.ge [sflag:s23], $0x1F40  }
0x7d: {  	[sflag:s23] =	ssyncset.done $0x0  }
0x7e: {  	[sflag:s23] =	ssyncadd.s32 $0xFFFFE0C0  }
0x7f: {  	[tilespmem:s25], [sflag:$0x2] =	stream.linear.gather [spmem:s17], $0x1F40, $0x38;
	[tilespmem:$0x10B80] =	vst v63  }
0x80: {  	s29 =	sadd.s32 $0x1, s29;
	_ =	swait.ge [sflag:s23], $0x1F40  }
0x81: {  	p0 =	sne.s32 s29, s8;
	[sflag:s23] =	ssyncset.done $0x0  }
.Ltmp1:
0x82: {  	[sflag:s23] =	ssyncadd.s32 $0xFFFFE0C0;
	(pc) =	sbr.rel @p0 .LBB2_1-.Ltmp1, $4  }
0x83: {  	[hbm4b:s22+s4] =	stream.linear.scatter [tilespmem:s25], [sflag:$0x2], $0x1F40, $0x38;
	[tilespmem:$0x10B80] =	vst v63  }
0x84: {  	_ =	swait.ge [sflag:s23], $0x1F40  }
0x85: {  	[sflag:s23] =	ssyncset.done $0x0  }
0x86: {  	[sflag:s23] =	ssyncadd.s32 $0xFFFFE0C0  }
0x87: {  	_ =	sfence.sel $0x180000  }
0x88: {  	[bflag:$0x0] =	sbarrier.arrive $0xFFFF  }
0x89: {  	_ =	strace $0x9000004D  }
0x8a: {  	s0 =	stileid.u32;
	[bflag:$0x2] =	sbarrier.arrive $0xFFFF  }
0x8b: {  	p0 =	sne.s32 s0, $0x0;
	s0 =	rddreg [dreg:$0x3]  }
0x8c: {  	s0 =	sadd.s32 @!p0 $0x100000, s0  }
0x8d: {  	[sflag:s0] =	ssyncadd.tile.s32 @!p0 $0x1;
	_ =	shalt  }
.Lfunc_end2:
_tile_overlayer_lowered:
.L_overlay_start_2:
0x8e: {  	(tag) =	ssettag $0x2  }
0x8f: {  	s0 =	rddreg [dreg:$0x0];
	s2 =	stileid.u32  }
0x90: {  	s1 =	rddreg [dreg:$0x1];
	p0 =	sne.s32 s2, $0x0  }
0x91: {  	s3 =	rddreg [dreg:$0x2];
	[bflag:$0x3] =	sbarrier.arrive $0xFFFF;
	s2 =	simm.s32 @!p0 $0x1C02  }
0x92: {  	[timem:s3], [sflag:s2] =	dma.local @!p0 [hbm:s0], s1  }
0x93: {  	s0 =	simm.s32 @!p0 $0x2  }
0x94: {  	_ =	swait.ge @!p0 [sflag:s0], s1  }
0x95: {  	s1 =	ssub.s32 @!p0 $0x0, s1;
	[sflag:s0] =	ssyncset.done @!p0 $0x0  }
0x96: {  	[sflag:s0] =	ssyncadd.s32 @!p0 s1  }
0x97: {  	[bflag:$0x3] =	sbarrier.arrive $0xFFFF  }
0x98: {  	_ =	shalt  }

// kernel: kernel.19.cloned.1.call-start
scs
__scs_entry_jumppad:
0x0: {  	(pc) =	sbr.rel $0x88, $3  }
0x1: {  	(tag) =	ssettag $0x0;
	lr =	simm.s32 $0x1  }
0x2: {  	[smem:$0x3F99] =	sst lr;
	_ =	strace $0xD0000000  }
0x3: {  	_ = 	snop  }
0x4: {  	_ = 	snop  }
0x5: {  	_ = 	snop  }
0x6: {  	_ = 	snop  }
0x7: {  	_ = 	snop  }
__scs_overlays_trampoline_lowered:
0x8: {  	[smem:$0x3FA8] =	sst s0  }
0x9: {  	[smem:$0x3FA9] =	sst s1  }
0xa: {  	[smem:$0x3FAA] =	sst s2  }
0xb: {  	[smem:$0x3FAB] =	sst s3  }
0xc: {  	[smem:$0x3FAC] =	sst s4  }
0xd: {  	[smem:$0x3FAD] =	sst s5  }
0xe: {  	[smem:$0x3FAE] =	sst s6  }
0xf: {  	[smem:$0x3FAF] =	sst s7  }
0x10: {  	[smem:$0x3FB0] =	sst s8  }
0x11: {  	[smem:$0x3FB1] =	sst s9;
	s0 =	simm.s32 @!p0 $0x0  }
0x12: {  	s1 =	sld [smem:$0x3F97];
	s0 =	simm.s32 @p0 $0x1  }
0x13: {  	[smem:$0x3FB2] =	sst s0;
	s0 =	simm.s32 @!p1 $0x0  }
0x14: {  	s2 =	sld [smem:$0x3F96];
	s0 =	simm.s32 @p1 $0x1  }
0x15: {  	[smem:$0x3FB3] =	sst s0;
	s0 =	simm.s32 @!p2 $0x0  }
0x16: {  	s3 =	sld [smem:$0x3FDB];
	s0 =	simm.s32 @p2 $0x1  }
0x17: {  	s4 =	simm.s32 $0x1BF5;
	[smem:$0x3FB5] =	sst s0  }
0x18: {  	s0 =	sld [smem:$0x3F98];
	_ =	swait.ge [sflag:s4], $0x0  }
0x19: {  	s7 =	sld [smem:$0x3F99]  }
0x1a: {  	s8 =	sadd.s32 $0xFFFFE003, lr  }
0x1b: {  	s9 =	sadd.s32 $0xFFFFFEF7, lr;
	s5 =	simm.s32 $0xFFFFFFFF;
	p2 =	slt.u32 s8, $0xFFFFF086  }
0x1c: {  	p1 =	slt.u32 s9, $0xF7A;
	s5 =	simm.s32 @!p2 $0x0  }
0x1d: {  	s5 =	simm.s32 @p1 $0x1;
	p0 =	seq.s32 s7, s2  }
0x1e: {  	s7 =	smul.u32 @!p0 $0xF7A, s2;
	p2 =	seq.s32 @!p0 s5, $0x0  }
0x1f: {  	s9 =	smul.u32 $0xF7A, s1;
	s8 =	simm.s32 @!p0 $0x1BF5;
	p2 =	por !p2, p0  }
0x20: {  	[sflag:s8] =	ssyncset.s32 @!p0 $0xFFFFF086;
	s6 =	sadd.s32 @!p0 s3, s7;
	s7 =	simm.s32 @!p0 $0x108  }
0x21: {  	s3 =	sadd.s32 s3, s9;
	s6 =	sadd.s32 @!p0 $0x88, s6;
	s7 =	simm.s32 @p2 $0x1082  }
0x22: {  	[simem:s7], [sflag:s8] =	dma.local @!p0 [hbm:s6], $0xF7A  }
0x23: {  	s9 =	sor.u32 $0xD0000000, s2;
	s6 =	simm.s32 $0x108;
	_ =	swait.ge @!p0 [sflag:s8], $0x0  }
0x24: {  	s3 =	sadd.s32 $0x88, s3;
	s6 =	simm.s32 @!p1 $0x1082;
	[sflag:s4] =	ssyncset.s32 $0xFFFFF086  }
0x25: {  	[simem:s6], [sflag:s4] =	dma.local [hbm:s3], $0xF7A  }
0x26: {  	[smem:$0x3F99] =	sst s1;
	(tag) =	ssettag s2;
	_ =	strace s9  }
0x27: {  	s1 =	sld [smem:$0x3FA9]  }
0x28: {  	s2 =	sld [smem:$0x3FAA]  }
0x29: {  	s4 =	sld [smem:$0x3FAC]  }
0x2a: {  	p0 =	seq.s32 s5, $0x0;
	s5 =	sld [smem:$0x3FAD]  }
0x2b: {  	s6 =	sld [smem:$0x3FAE]  }
0x2c: {  	s7 =	sld [smem:$0x3FAF]  }
0x2d: {  	s3 =	simm.s32 $0x108;
	s8 =	sld [smem:$0x3FB0]  }
0x2e: {  	s3 =	simm.s32 @!p0 $0x1082;
	s9 =	sld [smem:$0x3FB1]  }
0x2f: {  	lr =	sadd.s32 s0, s3;
	s0 =	sld [smem:$0x3FA8]  }
0x30: {  	s3 =	sld [smem:$0x3FAB]  }
0x31: {  	[smem:$0x3FB4] =	sst s10  }
0x32: {  	s10 =	sld [smem:$0x3FB2];
	_ =	sdelay $0x3  }
0x33: {  	p0 =	seq.s32 s10, $0x1;
	s10 =	sld [smem:$0x3FB4];
	_ =	sdelay $0x3  }
0x34: {  	[smem:$0x3FB4] =	sst s10  }
0x35: {  	s10 =	sld [smem:$0x3FB3];
	_ =	sdelay $0x3  }
0x36: {  	p1 =	seq.s32 s10, $0x1;
	s10 =	sld [smem:$0x3FB4];
	_ =	sdelay $0x3  }
0x37: {  	[smem:$0x3FB4] =	sst s10  }
0x38: {  	s10 =	sld [smem:$0x3FB5]  }
0x39: {  	_ = 	snop;
	(pc) =	sbr.ind lr, $3  }
0x3a: {  	_ = 	snop  }
0x3b: {  	_ = 	snop  }
0x3c: {  	p2 =	seq.s32 s10, $0x1;
	s10 =	sld [smem:$0x3FB4]  }
0x3d: {  	_ =	shalt  }
0x3e: {  	_ =	shalt  }
0x3f: {  	_ =	shalt  }
0x40: {  	_ =	shalt  }
0x41: {  	_ =	shalt  }
0x42: {  	_ =	shalt  }
0x43: {  	_ =	shalt  }
0x44: {  	_ =	shalt  }
0x45: {  	_ =	shalt  }
0x46: {  	_ =	shalt  }
0x47: {  	_ =	shalt  }
0x48: {  	_ =	shalt  }
0x49: {  	_ =	shalt  }
0x4a: {  	_ =	shalt  }
0x4b: {  	_ =	shalt  }
0x4c: {  	_ =	shalt  }
0x4d: {  	_ =	shalt  }
0x4e: {  	_ =	shalt  }
0x4f: {  	_ =	shalt  }
0x50: {  	_ =	shalt  }
0x51: {  	_ =	shalt  }
0x52: {  	_ =	shalt  }
0x53: {  	_ =	shalt  }
0x54: {  	_ =	shalt  }
0x55: {  	_ =	shalt  }
0x56: {  	_ =	shalt  }
0x57: {  	_ =	shalt  }
0x58: {  	_ =	shalt  }
0x59: {  	_ =	shalt  }
0x5a: {  	_ =	shalt  }
0x5b: {  	_ =	shalt  }
0x5c: {  	_ =	shalt  }
0x5d: {  	_ =	shalt  }
0x5e: {  	_ =	shalt  }
0x5f: {  	_ =	shalt  }
0x60: {  	_ =	shalt  }
0x61: {  	_ =	shalt  }
0x62: {  	_ =	shalt  }
0x63: {  	_ =	shalt  }
0x64: {  	_ =	shalt  }
0x65: {  	_ =	shalt  }
0x66: {  	_ =	shalt  }
0x67: {  	_ =	shalt  }
0x68: {  	_ =	shalt  }
0x69: {  	_ =	shalt  }
0x6a: {  	_ =	shalt  }
0x6b: {  	_ =	shalt  }
0x6c: {  	_ =	shalt  }
0x6d: {  	_ =	shalt  }
0x6e: {  	_ =	shalt  }
0x6f: {  	_ =	shalt  }
0x70: {  	_ =	shalt  }
0x71: {  	_ =	shalt  }
0x72: {  	_ =	shalt  }
0x73: {  	_ =	shalt  }
0x74: {  	_ =	shalt  }
0x75: {  	_ =	shalt  }
0x76: {  	_ =	shalt  }
0x77: {  	_ =	shalt  }
0x78: {  	_ =	shalt  }
0x79: {  	_ =	shalt  }
0x7a: {  	_ =	shalt  }
0x7b: {  	_ =	shalt  }
0x7c: {  	_ =	shalt  }
0x7d: {  	_ =	shalt  }
0x7e: {  	_ =	shalt  }
0x7f: {  	_ =	shalt  }
0x80: {  	_ =	shalt  }
0x81: {  	_ =	shalt  }
0x82: {  	_ =	shalt  }
0x83: {  	_ =	shalt  }
0x84: {  	_ =	shalt  }
0x85: {  	_ =	shalt  }
0x86: {  	_ =	shalt  }
0x87: {  	_ =	shalt  }
.Lfunc_end0:
.L_simem_size_0:
called_computation.3_lowered:
.L_overlay_start_0:
0x88: {  	s2 =	sld [smem:$0x3FD9]  }
0x89: {  	s3 =	sld [smem:$0x3FFE];
	_ =	sdelay $0x1  }
0x8a: {  	s1 =	srdreg.scid  }
0x8b: {  	s0 =	sand.u32 $0x1, s1  }
0x8c: {  	s17 =	sshll.u32 s0, $0xA;
	s2 =	sadd.s32 s3, s2  }
0x8d: {  	s2 =	sadd.s32 s2, s17  }
0x8e: {  	[smem:$0x3FC0] =	sst s2  }
0x8f: {  	_ = 	snop  }
0x90: {  	s2 =	sld [smem:$0x3FD0];
	(tm) =	ssettm $0x1  }
0x91: {  	s18 =	sld [smem:$0x3FFB];
	_ =	sdelay $0x3  }
0x92: {  	_ =	strace s18  }
0x93: {  	s3 =	sld [smem:$0x3FFC];
	_ =	sdelay $0x3  }
0x94: {  	_ =	strace s3  }
0x95: {  	s3 =	sld [smem:$0x3FFD];
	_ =	sdelay $0x3  }
0x96: {  	_ =	strace s3  }
0x97: {  	_ =	strace $0x8FFFFFFF  }
0x98: {  	s19 =	sld [smem:$0x3FDB];
	_ =	sdelay $0x1  }
0x99: {  	s4 =	simm.s32 $_scs_section_size  }
0x9a: {  	s5 =	simm.s32 $_size__tile_overlayer_lowered;
	s6 =	simm.s32 $_tile_overlayer_lowered  }
0x9b: {  	s22 =	simm.s32 $0x1BFF;
	s21 =	sshll.u32 s6, $0x1;
	s3 =	sadd.s32 s4, s19  }
0x9c: {  	s7 =	simm.s32 $0x0;
	s20 =	sshll.u32 s5, $0x1;
	s5 =	sadd.s32 s21, s3  }
0x9d: {  	[timem:s7], [sflag:s22] =	dma.local [hbm:s5], s20  }
0x9e: {  	_ =	swait.ge [sflag:s22], s20  }
0x9f: {  	s4 =	ssub.s32 $0x0, s20;
	[sflag:s22] =	ssyncset.done $0x0  }
0xa0: {  	[sflag:s22] =	ssyncadd.s32 s4;
	_ =	sdelay $0x1  }
0xa1: {  	s23 =	simm.s32 $0x1B8B  }
0xa2: {  	_ =	swait.ge [sflag:s23], $0x1  }
0xa3: {  	[sflag:s23] =	ssyncset.done $0x0  }
0xa4: {  	s25 =	simm.s32 $0x1B8E;
	s24 =	sld [smem:$0x3FFE];
	[sflag:s23] =	ssyncadd.s32 $0xFFFFFFFF  }
0xa5: {  	s26 =	simm.s32 $execute0_lowered;
	[smem:$0x3FD2] =	sst s25  }
0xa6: {  	s5 =	sshll.u32 s26, $0x1;
	_ =	strace $0x8000004F;
	[dreg:$0x1] =	wrdreg $0xFFFFFFFF  }
0xa7: {  	s28 =	simm.s32 $_size_execute0_lowered;
	s3 =	sadd.s32 s3, s5;
	[dreg:$0x0] =	wrdreg $0x0  }
0xa8: {  	s5 =	sshll.u32 s28, $0x1;
	[dreg:$0x2] =	wrdreg s3  }
0xa9: {  	[dreg:$0x3] =	wrdreg s5  }
0xaa: {  	[dreg:$0x4] =	wrdreg $0xC0  }
0xab: {  	_ =	task [dreg:s7], $0x5FFFF  }
0xac: {  	[dreg:$0x1] =	wrdreg $0xFFFFFFFF  }
0xad: {  	[dreg:$0x0] =	wrdreg $0x60  }
0xae: {  	[dreg:$0x2] =	wrdreg s2  }
0xaf: {  	[dreg:$0x3] =	wrdreg s24  }
0xb0: {  	[dreg:$0x4] =	wrdreg $0x8E800  }
0xb1: {  	[dreg:$0x5] =	wrdreg $0x9  }
0xb2: {  	_ =	task.clear_ibuf [dreg:s7], $0x6FFFF;
	_ =	strace $0x9000004F  }
0xb3: {  	s29 =	simm.s32 $0x9;
	_ =	strace $0x80000051  }
0xb4: {  	_ =	swait.ge [sflag:s29], $0x1  }
0xb5: {  	[sflag:s29] =	ssyncadd.s32 $0xFFFFFFFF  }
0xb6: {  	_ =	strace $0x90000051  }
0xb7: {  	_ =	sfence  }
0xb8: {  	s30 =	sld [smem:$0x0];
	_ =	sdelay $0x2  }
0xb9: {  	s31 =	sshll.u32 s1, $0xD;
	s1 =	sshrl.u32 s1, $0x2  }
0xba: {  	s3 =	sand.u32 $0x4000, s31;
	s1 =	sadd.s32 s1, s30  }
0xbb: {  	s0 =	sor.u32 s3, s0;
	s1 =	sshll.u32 s1, $0x11  }
0xbc: {  	s0 =	sor.u32 s1, s0  }
0xbd: {  	s0 =	sadd.s32 $0x8F2B, s0  }
0xbe: {  	[sflag:s0] =	ssyncadd.remote.s32 $0x1  }
0xbf: {  	_ =	sfence.sel $0xFFFF  }
0xc0: {  	[dreg:$0x0] =	wrdreg $0xFFFFFFFF;
	(pc) =	sbr.abs _section_cstart, $3  }
0xc1: {  	[dreg:$0x1] =	wrdreg $0xFFFFFFFF  }
0xc2: {  	_ =	task.clear_ibuf [dreg:s7], $0x2FFFF;
	_ =	strace $0x9FFFFFFF  }
0xc3: {  	(tm) =	ssettm $0x7FFFFFFF  }
tec
execute0_lowered:
.L_overlay_start_1:
0x0: {  	(tag) =	ssettag $0x1  }
0x1: {  	s2 =	rddreg [dreg:$0x0]  }
0x2: {  	s1 =	srdreg.scid;
	s7 =	rddreg [dreg:$0x1]  }
0x3: {  	s0 =	stileid.u32;
	s3 =	rddreg [dreg:$0x2];
	s4 =	simm.s32 $0x0  }
0x4: {  	s24 =	simm.s32 $0x2800;
	s25 =	simm.s32 $0x5000;
	s6 =	smul.u32 $0x2800, s0  }
0x5: {  	s26 =	simm.s32 $0x7D;
	s28 =	simm.s32 $0x1;
	s10 =	smul.u32 $0x271, s0  }
0x6: {  	s29 =	simm.s32 $0x0;
	s5 =	sand.u32 $0x1, s1;
	s12 =	smul.u32 $0x4E200, s0  }
0x7: {  	[smem:$0x7FF] =	sst s4;
	s22 =	sadd.s32 $0x1AA00, s7;
	s8 =	smul.u32 $0x28000, s5  }
0x8: {  	_ =	strace $0x80000050;
	s9 =	smul.u32 $0x2710, s5;
	s5 =	ssub.s32 $0x2, s5  }
0x9: {  	s11 =	sshrl.u32 s5, $0x1;
	s31 =	sshrl.u32 s12, $0x2;
	s8 =	sadd.s32 s6, s8  }
0xa: {  	s6 =	sshrl.u32 s6, $0x3;
	s11 =	ssub.s32 s5, s11;
	s9 =	sadd.s32 s9, s10  }
0xb: {  	s8 =	sshrl.u32 s8, $0x3;
	s6 =	sadd.s32 s6, s7;
	s18 =	sshll.u32 s9, $0x4  }
0xc: {  	s8 =	sadd.s32 s8, s7;
	s6 =	sadd.s32 $0x15A00, s6;
	s7 =	sadd.s32 s31, s3  }
0xd: {  	s9 =	sadd.s32 s2, s18;
	s19 =	sadd.s32 $0x7D0, s18;
	s20 =	sadd.s32 $0xFA0, s18  }
0xe: {  	s21 =	sadd.s32 $0x1770, s18;
	s23 =	sadd.s32 $0x1F40, s18;
	s18 =	sadd.s32 s22, s18  }
0xf: {  	s5 =	sadd.s32 $0xBA00, s8;
	s8 =	smax.u32 s11, $0x1;
	s10 =	sadd.s32 s2, s19  }
0x10: {  	s11 =	sadd.s32 $0x3E80, s7;
	s12 =	sadd.s32 s2, s20;
	s13 =	sadd.s32 $0x7D00, s7  }
0x11: {  	s14 =	sadd.s32 s2, s21;
	s15 =	sadd.s32 $0xBB80, s7;
	s16 =	sadd.s32 s2, s23  }
0x12: {  	s17 =	sadd.s32 $0xFA00, s7;
	s19 =	sadd.s32 s22, s19;
	s20 =	sadd.s32 s22, s20  }
0x13: {  	s21 =	sadd.s32 s22, s21;
	s22 =	sadd.s32 s22, s23;
	s23 =	simm.s32 $0x2  }
.LBB2_1:
0x14: {  	[tilespmem:s4], [sflag:$0x2] =	stream.linear.gather [hbm4b:s5+s4], $0x2800, $0x38;
	[tilespmem:$0x1C700] =	vst v63  }
0x15: {  	_ =	swait.ge [sflag:s23], $0x2800  }
0x16: {  	[sflag:s23] =	ssyncset.done $0x0  }
0x17: {  	[sflag:s23] =	ssyncadd.s32 $0xFFFFD800  }
0x18: {  	[tilespmem:s24], [sflag:$0x2] =	stream.linear.gather [hbm4b:s6+s4], $0x2800, $0x38;
	[tilespmem:$0x1C700] =	vst v63  }
0x19: {  	_ =	swait.ge [sflag:s23], $0x2800  }
0x1a: {  	[sflag:s23] =	ssyncset.done $0x0  }
0x1b: {  	[sflag:s23] =	ssyncadd.s32 $0xFFFFD800  }
0x1c: {  	[tilespmem:s25], [sflag:$0x2] =	stream.linear.gather [hbm4b:s9+s4], $0x3E80, $0x38;
	[tilespmem:$0x1C700] =	vst v63  }
0x1d: {  	_ =	swait.ge [sflag:s23], $0x3E80  }
0x1e: {  	[sflag:s23] =	ssyncset.done $0x0  }
0x1f: {  	[sflag:s23] =	ssyncadd.s32 $0xFFFFC180  }
0x20: {  	[spmem:s7] =	stream.linear.scatter [tilespmem:s25], [sflag:$0x2], $0x3E80, $0x38;
	[tilespmem:$0x1C700] =	vst v63  }
0x21: {  	_ =	swait.ge [sflag:s23], $0x3E80  }
0x22: {  	[sflag:s23] =	ssyncset.done $0x0  }
0x23: {  	[sflag:s23] =	ssyncadd.s32 $0xFFFFC180  }
0x24: {  	[tilespmem:s25], [sflag:$0x2] =	stream.linear.gather [hbm4b:s10+s4], $0x3E80, $0x38;
	[tilespmem:$0x1C700] =	vst v63  }
0x25: {  	_ =	swait.ge [sflag:s23], $0x3E80  }
0x26: {  	[sflag:s23] =	ssyncset.done $0x0  }
0x27: {  	[sflag:s23] =	ssyncadd.s32 $0xFFFFC180  }
0x28: {  	[spmem:s11] =	stream.linear.scatter [tilespmem:s25], [sflag:$0x2], $0x3E80, $0x38;
	[tilespmem:$0x1C700] =	vst v63  }
0x29: {  	_ =	swait.ge [sflag:s23], $0x3E80  }
0x2a: {  	[sflag:s23] =	ssyncset.done $0x0  }
0x2b: {  	[sflag:s23] =	ssyncadd.s32 $0xFFFFC180  }
0x2c: {  	[tilespmem:s25], [sflag:$0x2] =	stream.linear.gather [hbm4b:s12+s4], $0x3E80, $0x38;
	[tilespmem:$0x1C700] =	vst v63  }
0x2d: {  	_ =	swait.ge [sflag:s23], $0x3E80  }
0x2e: {  	[sflag:s23] =	ssyncset.done $0x0  }
0x2f: {  	[sflag:s23] =	ssyncadd.s32 $0xFFFFC180  }
0x30: {  	[spmem:s13] =	stream.linear.scatter [tilespmem:s25], [sflag:$0x2], $0x3E80, $0x38;
	[tilespmem:$0x1C700] =	vst v63  }
0x31: {  	_ =	swait.ge [sflag:s23], $0x3E80  }
0x32: {  	[sflag:s23] =	ssyncset.done $0x0  }
0x33: {  	[sflag:s23] =	ssyncadd.s32 $0xFFFFC180  }
0x34: {  	[tilespmem:s25], [sflag:$0x2] =	stream.linear.gather [hbm4b:s14+s4], $0x3E80, $0x38;
	[tilespmem:$0x1C700] =	vst v63  }
0x35: {  	_ =	swait.ge [sflag:s23], $0x3E80  }
0x36: {  	[sflag:s23] =	ssyncset.done $0x0  }
0x37: {  	[sflag:s23] =	ssyncadd.s32 $0xFFFFC180  }
0x38: {  	[spmem:s15] =	stream.linear.scatter [tilespmem:s25], [sflag:$0x2], $0x3E80, $0x38;
	[tilespmem:$0x1C700] =	vst v63  }
0x39: {  	_ =	swait.ge [sflag:s23], $0x3E80  }
0x3a: {  	[sflag:s23] =	ssyncset.done $0x0  }
0x3b: {  	[sflag:s23] =	ssyncadd.s32 $0xFFFFC180  }
0x3c: {  	[tilespmem:s25], [sflag:$0x2] =	stream.linear.gather [hbm4b:s16+s4], $0x3E80, $0x38;
	[tilespmem:$0x1C700] =	vst v63  }
0x3d: {  	_ =	swait.ge [sflag:s23], $0x3E80  }
0x3e: {  	[sflag:s23] =	ssyncset.done $0x0  }
0x3f: {  	[sflag:s23] =	ssyncadd.s32 $0xFFFFC180  }
0x40: {  	[spmem:s17] =	stream.linear.scatter [tilespmem:s25], [sflag:$0x2], $0x3E80, $0x38;
	[tilespmem:$0x1C700] =	vst v63  }
0x41: {  	_ =	swait.ge [sflag:s23], $0x3E80  }
0x42: {  	[sflag:s23] =	ssyncset.done $0x0  }
0x43: {  	[sflag:s23] =	ssyncadd.s32 $0xFFFFC180  }
0x44: {  	s30 =	simm.s32 $0x0;
	[bflag:$0x0] =	sbarrier.arrive $0xFFFF  }
0x45: {  	[tilespmem:s25], [sflag:$0x1] =	stream.indirect.gather [hbm4b:s2+s26], $0x80, s30, s26, $0xb8;
	[tilespmem:$0x1C700] =	vst v63  }
0x46: {  	_ =	swait.ge [sflag:s28], $0x3E80  }
0x47: {  	[sflag:s28] =	ssyncset.done $0x0  }
0x48: {  	s30 =	simm.s32 $0x2800;
	[sflag:s28] =	ssyncadd.s32 $0xFFFFC180  }
0x49: {  	[spmem:s3] =	stream.indirect.scatter.add.f32 [tilespmem:s25], [sflag:$0x2], $0x80, s30, s26, $0xb8;
	[tilespmem:$0x1C700] =	vst v63  }
0x4a: {  	_ =	swait.ge [sflag:s23], $0x3E80  }
0x4b: {  	s31 =	simm.s32 $0x400;
	s30 =	simm.s32 $0x200;
	[sflag:s23] =	ssyncset.done $0x0  }
.LBB2_2:
0x4c: {  	s1 =	sshra.s32 s30, $0x2  }
0x4d: {  	[sflag:s23] =	ssyncadd.s32 $0xFFFFC180;
	s30 =	smov.u32 s31;
	s0 =	sadd.s32 $0x200, s31  }
0x4e: {  	[tilespmem:s25], [sflag:$0x1] =	stream.indirect.gather [hbm4b:s2+s26], $0x80, s1, s26, $0xb8;
	[tilespmem:$0x1C700] =	vst v63  }
0x4f: {  	p0 =	sne.s32 s31, $0x9E00;
	_ =	swait.ge [sflag:s28], $0x3E80  }
.Ltmp0:
0x50: {  	[sflag:s28] =	ssyncset.done $0x0;
	(pc) =	sbr.rel @p0 .LBB2_2-.Ltmp0, $4  }
0x51: {  	s1 =	sadd.s32 $0x2800, s1;
	[sflag:s28] =	ssyncadd.s32 $0xFFFFC180  }
0x52: {  	[spmem:s3] =	stream.indirect.scatter.add.f32 [tilespmem:s25], [sflag:$0x2], $0x80, s1, s26, $0xb8;
	[tilespmem:$0x1C700] =	vst v63  }
0x53: {  	_ =	swait.ge [sflag:s23], $0x3E80  }
0x54: {  	s31 =	smov.u32 s0;
	[sflag:s23] =	ssyncset.done $0x0  }
0x55: {  	s0 =	sshra.s32 s30, $0x2;
	[sflag:s23] =	ssyncadd.s32 $0xFFFFC180  }
0x56: {  	[tilespmem:s25], [sflag:$0x1] =	stream.indirect.gather [hbm4b:s2+s26], $0x80, s0, s26, $0xb8;
	[tilespmem:$0x1C700] =	vst v63  }
0x57: {  	_ =	swait.ge [sflag:s28], $0x3E80  }
0x58: {  	[sflag:s28] =	ssyncset.done $0x0  }
0x59: {  	s0 =	sadd.s32 $0x2800, s0;
	[sflag:s28] =	ssyncadd.s32 $0xFFFFC180  }
0x5a: {  	[spmem:s3] =	stream.indirect.scatter.add.f32 [tilespmem:s25], [sflag:$0x2], $0x80, s0, s26, $0xb8;
	[tilespmem:$0x1C700] =	vst v63  }
0x5b: {  	_ =	swait.ge [sflag:s23], $0x3E80  }
0x5c: {  	[sflag:s23] =	ssyncset.done $0x0  }
0x5d: {  	[sflag:s23] =	ssyncadd.s32 $0xFFFFC180  }
0x5e: {  	[bflag:$0x0] =	sbarrier.arrive $0xFFFF  }
0x5f: {  	[tilespmem:s25], [sflag:$0x2] =	stream.linear.gather [spmem:s7], $0x3E80, $0x38;
	[tilespmem:$0x1C700] =	vst v63  }
0x60: {  	_ =	swait.ge [sflag:s23], $0x3E80  }
0x61: {  	[sflag:s23] =	ssyncset.done $0x0  }
0x62: {  	[sflag:s23] =	ssyncadd.s32 $0xFFFFC180  }
0x63: {  	[hbm4b:s18+s4] =	stream.linear.scatter [tilespmem:s25], [sflag:$0x2], $0x3E80, $0x38;
	[tilespmem:$0x1C700] =	vst v63  }
0x64: {  	_ =	swait.ge [sflag:s23], $0x3E80  }
0x65: {  	[sflag:s23] =	ssyncset.done $0x0  }
0x66: {  	[sflag:s23] =	ssyncadd.s32 $0xFFFFC180  }
0x67: {  	[tilespmem:s25], [sflag:$0x2] =	stream.linear.gather [spmem:s11], $0x3E80, $0x38;
	[tilespmem:$0x1C700] =	vst v63  }
0x68: {  	_ =	swait.ge [sflag:s23], $0x3E80  }
0x69: {  	[sflag:s23] =	ssyncset.done $0x0  }
0x6a: {  	[sflag:s23] =	ssyncadd.s32 $0xFFFFC180  }
0x6b: {  	[hbm4b:s19+s4] =	stream.linear.scatter [tilespmem:s25], [sflag:$0x2], $0x3E80, $0x38;
	[tilespmem:$0x1C700] =	vst v63  }
0x6c: {  	_ =	swait.ge [sflag:s23], $0x3E80  }
0x6d: {  	[sflag:s23] =	ssyncset.done $0x0  }
0x6e: {  	[sflag:s23] =	ssyncadd.s32 $0xFFFFC180  }
0x6f: {  	[tilespmem:s25], [sflag:$0x2] =	stream.linear.gather [spmem:s13], $0x3E80, $0x38;
	[tilespmem:$0x1C700] =	vst v63  }
0x70: {  	_ =	swait.ge [sflag:s23], $0x3E80  }
0x71: {  	[sflag:s23] =	ssyncset.done $0x0  }
0x72: {  	[sflag:s23] =	ssyncadd.s32 $0xFFFFC180  }
0x73: {  	[hbm4b:s20+s4] =	stream.linear.scatter [tilespmem:s25], [sflag:$0x2], $0x3E80, $0x38;
	[tilespmem:$0x1C700] =	vst v63  }
0x74: {  	_ =	swait.ge [sflag:s23], $0x3E80  }
0x75: {  	[sflag:s23] =	ssyncset.done $0x0  }
0x76: {  	[sflag:s23] =	ssyncadd.s32 $0xFFFFC180  }
0x77: {  	[tilespmem:s25], [sflag:$0x2] =	stream.linear.gather [spmem:s15], $0x3E80, $0x38;
	[tilespmem:$0x1C700] =	vst v63  }
0x78: {  	_ =	swait.ge [sflag:s23], $0x3E80  }
0x79: {  	[sflag:s23] =	ssyncset.done $0x0  }
0x7a: {  	[sflag:s23] =	ssyncadd.s32 $0xFFFFC180  }
0x7b: {  	[hbm4b:s21+s4] =	stream.linear.scatter [tilespmem:s25], [sflag:$0x2], $0x3E80, $0x38;
	[tilespmem:$0x1C700] =	vst v63  }
0x7c: {  	_ =	swait.ge [sflag:s23], $0x3E80  }
0x7d: {  	[sflag:s23] =	ssyncset.done $0x0  }
0x7e: {  	[sflag:s23] =	ssyncadd.s32 $0xFFFFC180  }
0x7f: {  	[tilespmem:s25], [sflag:$0x2] =	stream.linear.gather [spmem:s17], $0x3E80, $0x38;
	[tilespmem:$0x1C700] =	vst v63  }
0x80: {  	s29 =	sadd.s32 $0x1, s29;
	_ =	swait.ge [sflag:s23], $0x3E80  }
0x81: {  	p0 =	sne.s32 s29, s8;
	[sflag:s23] =	ssyncset.done $0x0  }
.Ltmp1:
0x82: {  	[sflag:s23] =	ssyncadd.s32 $0xFFFFC180;
	(pc) =	sbr.rel @p0 .LBB2_1-.Ltmp1, $4  }
0x83: {  	[hbm4b:s22+s4] =	stream.linear.scatter [tilespmem:s25], [sflag:$0x2], $0x3E80, $0x38;
	[tilespmem:$0x1C700] =	vst v63  }
0x84: {  	_ =	swait.ge [sflag:s23], $0x3E80  }
0x85: {  	[sflag:s23] =	ssyncset.done $0x0  }
0x86: {  	[sflag:s23] =	ssyncadd.s32 $0xFFFFC180  }
0x87: {  	_ =	sfence.sel $0x180000  }
0x88: {  	[bflag:$0x0] =	sbarrier.arrive $0xFFFF  }
0x89: {  	_ =	strace $0x90000050  }
0x8a: {  	s0 =	stileid.u32;
	[bflag:$0x2] =	sbarrier.arrive $0xFFFF  }
0x8b: {  	p0 =	sne.s32 s0, $0x0;
	s0 =	rddreg [dreg:$0x3]  }
0x8c: {  	s0 =	sadd.s32 @!p0 $0x100000, s0  }
0x8d: {  	[sflag:s0] =	ssyncadd.tile.s32 @!p0 $0x1;
	_ =	shalt  }
.Lfunc_end2:
_tile_overlayer_lowered:
.L_overlay_start_2:
0x8e: {  	(tag) =	ssettag $0x2  }
0x8f: {  	s0 =	rddreg [dreg:$0x0];
	s2 =	stileid.u32  }
0x90: {  	s1 =	rddreg [dreg:$0x1];
	p0 =	sne.s32 s2, $0x0  }
0x91: {  	s3 =	rddreg [dreg:$0x2];
	[bflag:$0x3] =	sbarrier.arrive $0xFFFF;
	s2 =	simm.s32 @!p0 $0x1C02  }
0x92: {  	[timem:s3], [sflag:s2] =	dma.local @!p0 [hbm:s0], s1  }
0x93: {  	s0 =	simm.s32 @!p0 $0x2  }
0x94: {  	_ =	swait.ge @!p0 [sflag:s0], s1  }
0x95: {  	s1 =	ssub.s32 @!p0 $0x0, s1;
	[sflag:s0] =	ssyncset.done @!p0 $0x0  }
0x96: {  	[sflag:s0] =	ssyncadd.s32 @!p0 s1  }
0x97: {  	[bflag:$0x3] =	sbarrier.arrive $0xFFFF  }
0x98: {  	_ =	shalt  }

</sc_bundles>
